<compile_context>
chip_gen: v7x
topology: tpu7x:2x2x1
jax: 0.10.2.dev20260603
libtpu: 0.0.44.dev20260713+nightly
codegen_flags: <defaults>
</compile_context>

<pallas_src>
import jax
import jax.numpy as jnp
import numpy as np
from jax import lax
from jax.experimental import pallas as pl
from jax.experimental.pallas import tpu as pltpu
from jax.experimental.pallas import tpu_sc as plsc

_VOCAB = 1000000
_D = 128
_SEQ = 8192

_NC = 2
_NS = 16
_L = 16
_NW = _NC * _NS
_B_PER_W = _SEQ // _NW
_K = 2
_R = _B_PER_W // _K
_NCH = _D // _L

_INIT_LEN = (_SEQ // _R) * 2 * _D
_ROT_OFF = _SEQ + _INIT_LEN
_ST_LEN = _K * 2 * _D


def _packed_consts():
    j = np.arange(_D)
    w = (10000.0 ** (-2.0 * (j // 2) / _D)).astype(np.float64)
    phase = np.where(j % 2 == 0, 0.0, np.pi / 2.0)
    starts = np.arange(_SEQ // _R, dtype=np.float64) * _R
    ang0 = starts[:, None] * w[None, :] + phase[None, :]
    init = np.stack([np.sin(ang0), np.cos(ang0)], axis=1)
    rot = np.stack([np.cos(w), np.sin(w)], axis=0)
    packed = np.concatenate([init.astype(np.float32).reshape(-1),
                             rot.astype(np.float32).reshape(-1)])
    return packed.view(np.int32)


_CONSTS_I32 = _packed_consts()


def _f32(chunk):
    return lax.bitcast_convert_type(chunk, jnp.float32)


def _body(tok_hbm, xx_hbm, out_hbm, idx_v, rows_v, st_v, rot_v,
          gsem0, gsem1, wsem):
    wid = lax.axis_index("s") * _NC + lax.axis_index("c")
    base = wid * _B_PER_W

    pltpu.sync_copy(xx_hbm.at[pl.ds(base, _B_PER_W)], idx_v)
    g0 = pltpu.async_copy(tok_hbm.at[idx_v.at[pl.ds(0, _R)]],
                          rows_v.at[0], gsem0)
    g1 = pltpu.async_copy(tok_hbm.at[idx_v.at[pl.ds(_R, _R)]],
                          rows_v.at[1], gsem1)
    pltpu.sync_copy(xx_hbm.at[pl.ds(_SEQ + wid * _ST_LEN, _ST_LEN)], st_v)
    pltpu.sync_copy(xx_hbm.at[pl.ds(_ROT_OFF, 2 * _D)], rot_v)
    g0.wait()

    def add_rows(k):
        cw = [_f32(rot_v[pl.ds(c * _L, _L)]) for c in range(_NCH)]
        sw = [_f32(rot_v[pl.ds(_D + c * _L, _L)]) for c in range(_NCH)]
        v0 = [_f32(st_v[pl.ds(k * 2 * _D + c * _L, _L)])
              for c in range(_NCH)]
        u0 = [_f32(st_v[pl.ds((k * 2 + 1) * _D + c * _L, _L)])
              for c in range(_NCH)]

        def add_row(r, state):
            v, u = state
            nv, nu = [], []
            for c in range(_NCH):
                plsc.addupdate(rows_v.at[k, r, pl.ds(c * _L, _L)], v[c])
                nv.append(v[c] * cw[c] + u[c] * sw[c])
                nu.append(u[c] * cw[c] - v[c] * sw[c])
            return tuple(nv), tuple(nu)

        lax.fori_loop(0, _R, add_row, (tuple(v0), tuple(u0)), unroll=2)

    add_rows(0)
    w0 = pltpu.async_copy(rows_v.at[0],
                          out_hbm.at[pl.ds(base, _R)], wsem)
    g1.wait()
    add_rows(1)
    w1 = pltpu.async_copy(rows_v.at[1],
                          out_hbm.at[pl.ds(base + _R, _R)], wsem)
    w0.wait()
    w1.wait()


def _embed(xx, tok_table):
    mesh = plsc.VectorSubcoreMesh(
        core_axis_name="c", subcore_axis_name="s",
        num_cores=_NC, num_subcores=_NS)
    return pl.kernel(
        _body,
        out_type=jax.ShapeDtypeStruct((_SEQ, _D), jnp.float32),
        mesh=mesh,
        scratch_types=[
            pltpu.VMEM((_B_PER_W,), jnp.int32),
            pltpu.VMEM((_K, _R, _D), jnp.float32),
            pltpu.VMEM((_ST_LEN,), jnp.int32),
            pltpu.VMEM((2 * _D,), jnp.int32),
            pltpu.SemaphoreType.DMA,
            pltpu.SemaphoreType.DMA,
            pltpu.SemaphoreType.DMA,
        ],
    )(tok_table, xx)


def kernel(x, tok_table):
    xx = jnp.concatenate([x.astype(jnp.int32), _CONSTS_I32])
    return _embed(xx, tok_table)

# --- scband reference (transcript-rebuilt; emitter-appended) ---
"""Pipeline reference for scband-transformer-embedding-14963666059798 (READ-ONLY COPY).

The authoritative reference and input builder live on the scoring server;
editing this copy changes nothing except your own understanding.
"""

import jax, jax.numpy as jnp
import numpy as np

VOCAB = 1000000
D_MODEL = 128
MAX_LEN = 8192
SEQ = 8192

def _make_pos_table(d_model, max_len):
    pos = jnp.arange(max_len, dtype=jnp.float32)[:, None]
    _2i = jnp.arange(0, d_model, 2, dtype=jnp.float32)
    angle = pos / (10000.0 ** (_2i / d_model))
    table = jnp.zeros((max_len, d_model), dtype=jnp.float32)
    table = table.at[:, 0::2].set(jnp.sin(angle))
    table = table.at[:, 1::2].set(jnp.cos(angle))
    return table

def setup_inputs(seed: int = 0) -> dict:
    key = jax.random.key(seed)
    k1, k2 = jax.random.split(key)
    x = jax.random.randint(k1, (SEQ,), 0, VOCAB, dtype=jnp.int64 if jax.config.jax_enable_x64 else jnp.int32)
    # nn.Embedding default init: N(0, 1)
    tok_table = jax.random.normal(k2, (VOCAB, D_MODEL), dtype=jnp.float32)
    return {"x": x, "tok_table": tok_table}

def reference(x, tok_table):
    # TokenEmbedding lookup
    tok_emb = jnp.take(tok_table, x, axis=0)
    # Sinusoidal PositionalEmbedding: first row(x) rows of the fixed table
    pos_table = _make_pos_table(D_MODEL, MAX_LEN)
    pos_emb = pos_table[: x.shape[0], :]
    # dropout with p=0.0 is identity
    return tok_emb + pos_emb

if __name__ == "__main__":
    import jax
    _d = setup_inputs()
    print(jax.jit(kernel)(*tuple(_d.values())))

</pallas_src>

<mosaic_0001>
#map = affine_map<(d0, d1) -> (0, 0)>
#map1 = affine_map<(d0, d1) -> (0)>
module attributes {stable_mosaic.version = 14 : i64} {
  func.func @_body(%arg0: i32, %arg1: i32, %arg2: memref<1000000x128xf32, #tpu.memory_space<hbm>>, %arg3: memref<24832xi32, #tpu.memory_space<hbm>>, %arg4: memref<8192x128xf32, #tpu.memory_space<hbm>>, %arg5: memref<256xi32, #tpu.memory_space<vmem>>, %arg6: memref<2x128x128xf32, #tpu.memory_space<vmem>>, %arg7: memref<512xi32, #tpu.memory_space<vmem>>, %arg8: memref<256xi32, #tpu.memory_space<vmem>>, %arg9: memref<!tpu.dma_semaphore, #tpu.memory_space<semaphore_mem>>, %arg10: memref<!tpu.dma_semaphore, #tpu.memory_space<semaphore_mem>>, %arg11: memref<!tpu.dma_semaphore, #tpu.memory_space<semaphore_mem>>) attributes {dimension_semantics = [#tpu.dimension_semantics<core_parallel>, #tpu.dimension_semantics<subcore_parallel>], iteration_bounds = array<i64: 2, 16>, scalar_prefetch = 0 : i64, scratch_operands = 7 : i64, tpu.core_type = #tpu.core_type<sc_vector_subcore>, window_params = [{transform_indices = #map}, {transform_indices = #map1}, {transform_indices = #map}]} {
    %mul3A = arith.constant 2 : i32
    %mul3A_0 = arith.muli %arg1, %mul3A : i32
    %add3A = arith.addi %mul3A_0, %arg0 : i32
    %mul3A_1 = arith.constant 256 : i32
    %mul3A_2 = arith.muli %add3A, %mul3A_1 : i32
    "tpu.region"() ({
      %run_scoped3A = tpu.sem_alloc : memref<!tpu.dma_semaphore, #tpu.memory_space<semaphore_mem>>
      %dma_start3A_364 = tpu.memref_slice %arg3[%mul3A_2] : memref<24832xi32, #tpu.memory_space<hbm>> -> memref<256xi32, #tpu.memory_space<hbm>>
      %dma_start3A_365 = tpu.memref_slice %arg3[%mul3A_2] : memref<24832xi32, #tpu.memory_space<hbm>> -> memref<256xi32, #tpu.memory_space<hbm>>
      tpu.enqueue_dma source(%dma_start3A_365 : memref<256xi32, #tpu.memory_space<hbm>>) target(%arg5 : memref<256xi32, #tpu.memory_space<vmem>>) target_semaphore(%run_scoped3A : memref<!tpu.dma_semaphore, #tpu.memory_space<semaphore_mem>>)
      %dma_wait3A_366 = tpu.memref_slice %arg3[%mul3A_2] : memref<24832xi32, #tpu.memory_space<hbm>> -> memref<256xi32, #tpu.memory_space<hbm>>
      %dma_wait3A_367 = tpu.memref_slice %arg3[%mul3A_2] : memref<24832xi32, #tpu.memory_space<hbm>> -> memref<256xi32, #tpu.memory_space<hbm>>
      tpu.wait_dma2 semaphore(%run_scoped3A : memref<!tpu.dma_semaphore, #tpu.memory_space<semaphore_mem>>) src(%dma_wait3A_367 : memref<256xi32, #tpu.memory_space<hbm>>) dst(%arg5 : memref<256xi32, #tpu.memory_space<vmem>>)
      tpu.yield
    }) : () -> ()
    %dma_start3A = arith.constant 0 : i32
    %dma_start3A_3 = arith.constant 0 : i32
    %dma_start3A_4 = arith.constant 0 : i32
    %dma_start3A_5 = tpu.memref_slice %arg6[%dma_start3A, %dma_start3A_3, %dma_start3A_4] : memref<2x128x128xf32, #tpu.memory_space<vmem>> -> memref<1x128x128xf32, #tpu.memory_space<vmem>>
    %dma_start3A_6 = tpu.memref_squeeze %dma_start3A_5 : memref<1x128x128xf32, #tpu.memory_space<vmem>> -> memref<128x128xf32, #tpu.memory_space<vmem>>
    %dma_start3A_7 = arith.constant 0 : i32
    %dma_start3A_8 = tpu.memref_slice %arg5[%dma_start3A_7] : memref<256xi32, #tpu.memory_space<vmem>> -> memref<128xi32, #tpu.memory_space<vmem>>
    %dma_start3A_9 = arith.constant 0 : i32
    %dma_start3A_10 = arith.constant 0 : i32
    %dma_start3A_11 = tpu.memref_slice %arg2[%dma_start3A_9, %dma_start3A_10] : memref<1000000x128xf32, #tpu.memory_space<hbm>> -> memref<1000000x128xf32, #tpu.memory_space<hbm>>
    tpu.enqueue_indirect_dma source(%dma_start3A_11 : memref<1000000x128xf32, #tpu.memory_space<hbm>>) target(%dma_start3A_6 : memref<128x128xf32, #tpu.memory_space<vmem>>) offsets(%dma_start3A_8 : memref<128xi32, #tpu.memory_space<vmem>>) semaphore(%arg9 : memref<!tpu.dma_semaphore, #tpu.memory_space<semaphore_mem>>)
    %dma_start3A_12 = arith.constant 1 : i32
    %dma_start3A_13 = arith.constant 0 : i32
    %dma_start3A_14 = arith.constant 0 : i32
    %dma_start3A_15 = tpu.memref_slice %arg6[%dma_start3A_12, %dma_start3A_13, %dma_start3A_14] : memref<2x128x128xf32, #tpu.memory_space<vmem>> -> memref<1x128x128xf32, #tpu.memory_space<vmem>>
    %dma_start3A_16 = tpu.memref_squeeze %dma_start3A_15 : memref<1x128x128xf32, #tpu.memory_space<vmem>> -> memref<128x128xf32, #tpu.memory_space<vmem>>
    %dma_start3A_17 = arith.constant 128 : i32
    %dma_start3A_18 = tpu.memref_slice %arg5[%dma_start3A_17] : memref<256xi32, #tpu.memory_space<vmem>> -> memref<128xi32, #tpu.memory_space<vmem>>
    %dma_start3A_19 = arith.constant 0 : i32
    %dma_start3A_20 = arith.constant 0 : i32
    %dma_start3A_21 = tpu.memref_slice %arg2[%dma_start3A_19, %dma_start3A_20] : memref<1000000x128xf32, #tpu.memory_space<hbm>> -> memref<1000000x128xf32, #tpu.memory_space<hbm>>
    tpu.enqueue_indirect_dma source(%dma_start3A_21 : memref<1000000x128xf32, #tpu.memory_space<hbm>>) target(%dma_start3A_16 : memref<128x128xf32, #tpu.memory_space<vmem>>) offsets(%dma_start3A_18 : memref<128xi32, #tpu.memory_space<vmem>>) semaphore(%arg10 : memref<!tpu.dma_semaphore, #tpu.memory_space<semaphore_mem>>)
    %mul3A_22 = arith.constant 512 : i32
    %mul3A_23 = arith.muli %add3A, %mul3A_22 : i32
    %add3A_24 = arith.constant 8192 : i32
    %add3A_25 = arith.addi %add3A_24, %mul3A_23 : i32
    "tpu.region"() ({
      %run_scoped3A = tpu.sem_alloc : memref<!tpu.dma_semaphore, #tpu.memory_space<semaphore_mem>>
      %dma_start3A_364 = tpu.memref_slice %arg3[%add3A_25] : memref<24832xi32, #tpu.memory_space<hbm>> -> memref<512xi32, #tpu.memory_space<hbm>>
      %dma_start3A_365 = tpu.memref_slice %arg3[%add3A_25] : memref<24832xi32, #tpu.memory_space<hbm>> -> memref<512xi32, #tpu.memory_space<hbm>>
      tpu.enqueue_dma source(%dma_start3A_365 : memref<512xi32, #tpu.memory_space<hbm>>) target(%arg7 : memref<512xi32, #tpu.memory_space<vmem>>) target_semaphore(%run_scoped3A : memref<!tpu.dma_semaphore, #tpu.memory_space<semaphore_mem>>)
      %dma_wait3A_366 = tpu.memref_slice %arg3[%add3A_25] : memref<24832xi32, #tpu.memory_space<hbm>> -> memref<512xi32, #tpu.memory_space<hbm>>
      %dma_wait3A_367 = tpu.memref_slice %arg3[%add3A_25] : memref<24832xi32, #tpu.memory_space<hbm>> -> memref<512xi32, #tpu.memory_space<hbm>>
      tpu.wait_dma2 semaphore(%run_scoped3A : memref<!tpu.dma_semaphore, #tpu.memory_space<semaphore_mem>>) src(%dma_wait3A_367 : memref<512xi32, #tpu.memory_space<hbm>>) dst(%arg7 : memref<512xi32, #tpu.memory_space<vmem>>)
      tpu.yield
    }) : () -> ()
    "tpu.region"() ({
      %run_scoped3A = tpu.sem_alloc : memref<!tpu.dma_semaphore, #tpu.memory_space<semaphore_mem>>
      %dma_start3A_364 = arith.constant 24576 : i32
      %dma_start3A_365 = tpu.memref_slice %arg3[%dma_start3A_364] : memref<24832xi32, #tpu.memory_space<hbm>> -> memref<256xi32, #tpu.memory_space<hbm>>
      %dma_start3A_366 = arith.constant 24576 : i32
      %dma_start3A_367 = tpu.memref_slice %arg3[%dma_start3A_366] : memref<24832xi32, #tpu.memory_space<hbm>> -> memref<256xi32, #tpu.memory_space<hbm>>
      tpu.enqueue_dma source(%dma_start3A_367 : memref<256xi32, #tpu.memory_space<hbm>>) target(%arg8 : memref<256xi32, #tpu.memory_space<vmem>>) target_semaphore(%run_scoped3A : memref<!tpu.dma_semaphore, #tpu.memory_space<semaphore_mem>>)
      %dma_wait3A_368 = arith.constant 24576 : i32
      %dma_wait3A_369 = tpu.memref_slice %arg3[%dma_wait3A_368] : memref<24832xi32, #tpu.memory_space<hbm>> -> memref<256xi32, #tpu.memory_space<hbm>>
      %dma_wait3A_370 = arith.constant 24576 : i32
      %dma_wait3A_371 = tpu.memref_slice %arg3[%dma_wait3A_370] : memref<24832xi32, #tpu.memory_space<hbm>> -> memref<256xi32, #tpu.memory_space<hbm>>
      tpu.wait_dma2 semaphore(%run_scoped3A : memref<!tpu.dma_semaphore, #tpu.memory_space<semaphore_mem>>) src(%dma_wait3A_371 : memref<256xi32, #tpu.memory_space<hbm>>) dst(%arg8 : memref<256xi32, #tpu.memory_space<vmem>>)
      tpu.yield
    }) : () -> ()
    %dma_wait3A = arith.constant 0 : i32
    %dma_wait3A_26 = arith.constant 0 : i32
    %dma_wait3A_27 = arith.constant 0 : i32
    %dma_wait3A_28 = tpu.memref_slice %arg6[%dma_wait3A, %dma_wait3A_26, %dma_wait3A_27] : memref<2x128x128xf32, #tpu.memory_space<vmem>> -> memref<1x128x128xf32, #tpu.memory_space<vmem>>
    %dma_wait3A_29 = tpu.memref_squeeze %dma_wait3A_28 : memref<1x128x128xf32, #tpu.memory_space<vmem>> -> memref<128x128xf32, #tpu.memory_space<vmem>>
    %dma_wait3A_30 = arith.constant 0 : i32
    %dma_wait3A_31 = tpu.memref_slice %arg5[%dma_wait3A_30] : memref<256xi32, #tpu.memory_space<vmem>> -> memref<128xi32, #tpu.memory_space<vmem>>
    %dma_wait3A_32 = arith.constant 0 : i32
    %dma_wait3A_33 = arith.constant 0 : i32
    %dma_wait3A_34 = tpu.memref_slice %arg2[%dma_wait3A_32, %dma_wait3A_33] : memref<1000000x128xf32, #tpu.memory_space<hbm>> -> memref<1000000x128xf32, #tpu.memory_space<hbm>>
    tpu.wait_indirect_dma semaphore(%arg9 : memref<!tpu.dma_semaphore, #tpu.memory_space<semaphore_mem>>) src(%dma_wait3A_34 : memref<1000000x128xf32, #tpu.memory_space<hbm>>) dst(%dma_wait3A_29 : memref<128x128xf32, #tpu.memory_space<vmem>>)
    %get3A = arith.constant 0 : index
    %get3A_35 = tpu.vector_load %arg8[%get3A] {strides = array<i32>} : memref<256xi32, #tpu.memory_space<vmem>>, vector<16xi32>,
    %get3A_36 = vector.shape_cast %get3A_35 : vector<16xi32> to vector<16xi32>
    %bitcast_convert_type3A = tpu.bitcast %get3A_36 : vector<16xi32> -> vector<16xf32>
    %get3A_37 = arith.constant 16 : index
    %get3A_38 = tpu.vector_load %arg8[%get3A_37] {strides = array<i32>} : memref<256xi32, #tpu.memory_space<vmem>>, vector<16xi32>,
    %get3A_39 = vector.shape_cast %get3A_38 : vector<16xi32> to vector<16xi32>
    %bitcast_convert_type3A_40 = tpu.bitcast %get3A_39 : vector<16xi32> -> vector<16xf32>
    %get3A_41 = arith.constant 32 : index
    %get3A_42 = tpu.vector_load %arg8[%get3A_41] {strides = array<i32>} : memref<256xi32, #tpu.memory_space<vmem>>, vector<16xi32>,
    %get3A_43 = vector.shape_cast %get3A_42 : vector<16xi32> to vector<16xi32>
    %bitcast_convert_type3A_44 = tpu.bitcast %get3A_43 : vector<16xi32> -> vector<16xf32>
    %get3A_45 = arith.constant 48 : index
    %get3A_46 = tpu.vector_load %arg8[%get3A_45] {strides = array<i32>} : memref<256xi32, #tpu.memory_space<vmem>>, vector<16xi32>,
    %get3A_47 = vector.shape_cast %get3A_46 : vector<16xi32> to vector<16xi32>
    %bitcast_convert_type3A_48 = tpu.bitcast %get3A_47 : vector<16xi32> -> vector<16xf32>
    %get3A_49 = arith.constant 64 : index
    %get3A_50 = tpu.vector_load %arg8[%get3A_49] {strides = array<i32>} : memref<256xi32, #tpu.memory_space<vmem>>, vector<16xi32>,
    %get3A_51 = vector.shape_cast %get3A_50 : vector<16xi32> to vector<16xi32>
    %bitcast_convert_type3A_52 = tpu.bitcast %get3A_51 : vector<16xi32> -> vector<16xf32>
    %get3A_53 = arith.constant 80 : index
    %get3A_54 = tpu.vector_load %arg8[%get3A_53] {strides = array<i32>} : memref<256xi32, #tpu.memory_space<vmem>>, vector<16xi32>,
    %get3A_55 = vector.shape_cast %get3A_54 : vector<16xi32> to vector<16xi32>
    %bitcast_convert_type3A_56 = tpu.bitcast %get3A_55 : vector<16xi32> -> vector<16xf32>
    %get3A_57 = arith.constant 96 : index
    %get3A_58 = tpu.vector_load %arg8[%get3A_57] {strides = array<i32>} : memref<256xi32, #tpu.memory_space<vmem>>, vector<16xi32>,
    %get3A_59 = vector.shape_cast %get3A_58 : vector<16xi32> to vector<16xi32>
    %bitcast_convert_type3A_60 = tpu.bitcast %get3A_59 : vector<16xi32> -> vector<16xf32>
    %get3A_61 = arith.constant 112 : index
    %get3A_62 = tpu.vector_load %arg8[%get3A_61] {strides = array<i32>} : memref<256xi32, #tpu.memory_space<vmem>>, vector<16xi32>,
    %get3A_63 = vector.shape_cast %get3A_62 : vector<16xi32> to vector<16xi32>
    %bitcast_convert_type3A_64 = tpu.bitcast %get3A_63 : vector<16xi32> -> vector<16xf32>
    %get3A_65 = arith.constant 128 : index
    %get3A_66 = tpu.vector_load %arg8[%get3A_65] {strides = array<i32>} : memref<256xi32, #tpu.memory_space<vmem>>, vector<16xi32>,
    %get3A_67 = vector.shape_cast %get3A_66 : vector<16xi32> to vector<16xi32>
    %bitcast_convert_type3A_68 = tpu.bitcast %get3A_67 : vector<16xi32> -> vector<16xf32>
    %get3A_69 = arith.constant 144 : index
    %get3A_70 = tpu.vector_load %arg8[%get3A_69] {strides = array<i32>} : memref<256xi32, #tpu.memory_space<vmem>>, vector<16xi32>,
    %get3A_71 = vector.shape_cast %get3A_70 : vector<16xi32> to vector<16xi32>
    %bitcast_convert_type3A_72 = tpu.bitcast %get3A_71 : vector<16xi32> -> vector<16xf32>
    %get3A_73 = arith.constant 160 : index
    %get3A_74 = tpu.vector_load %arg8[%get3A_73] {strides = array<i32>} : memref<256xi32, #tpu.memory_space<vmem>>, vector<16xi32>,
    %get3A_75 = vector.shape_cast %get3A_74 : vector<16xi32> to vector<16xi32>
    %bitcast_convert_type3A_76 = tpu.bitcast %get3A_75 : vector<16xi32> -> vector<16xf32>
    %get3A_77 = arith.constant 176 : index
    %get3A_78 = tpu.vector_load %arg8[%get3A_77] {strides = array<i32>} : memref<256xi32, #tpu.memory_space<vmem>>, vector<16xi32>,
    %get3A_79 = vector.shape_cast %get3A_78 : vector<16xi32> to vector<16xi32>
    %bitcast_convert_type3A_80 = tpu.bitcast %get3A_79 : vector<16xi32> -> vector<16xf32>
    %get3A_81 = arith.constant 192 : index
    %get3A_82 = tpu.vector_load %arg8[%get3A_81] {strides = array<i32>} : memref<256xi32, #tpu.memory_space<vmem>>, vector<16xi32>,
    %get3A_83 = vector.shape_cast %get3A_82 : vector<16xi32> to vector<16xi32>
    %bitcast_convert_type3A_84 = tpu.bitcast %get3A_83 : vector<16xi32> -> vector<16xf32>
    %get3A_85 = arith.constant 208 : index
    %get3A_86 = tpu.vector_load %arg8[%get3A_85] {strides = array<i32>} : memref<256xi32, #tpu.memory_space<vmem>>, vector<16xi32>,
    %get3A_87 = vector.shape_cast %get3A_86 : vector<16xi32> to vector<16xi32>
    %bitcast_convert_type3A_88 = tpu.bitcast %get3A_87 : vector<16xi32> -> vector<16xf32>
    %get3A_89 = arith.constant 224 : index
    %get3A_90 = tpu.vector_load %arg8[%get3A_89] {strides = array<i32>} : memref<256xi32, #tpu.memory_space<vmem>>, vector<16xi32>,
    %get3A_91 = vector.shape_cast %get3A_90 : vector<16xi32> to vector<16xi32>
    %bitcast_convert_type3A_92 = tpu.bitcast %get3A_91 : vector<16xi32> -> vector<16xf32>
    %get3A_93 = arith.constant 240 : index
    %get3A_94 = tpu.vector_load %arg8[%get3A_93] {strides = array<i32>} : memref<256xi32, #tpu.memory_space<vmem>>, vector<16xi32>,
    %get3A_95 = vector.shape_cast %get3A_94 : vector<16xi32> to vector<16xi32>
    %bitcast_convert_type3A_96 = tpu.bitcast %get3A_95 : vector<16xi32> -> vector<16xf32>
    %get3A_97 = arith.constant 0 : index
    %get3A_98 = tpu.vector_load %arg7[%get3A_97] {strides = array<i32>} : memref<512xi32, #tpu.memory_space<vmem>>, vector<16xi32>,
    %get3A_99 = vector.shape_cast %get3A_98 : vector<16xi32> to vector<16xi32>
    %bitcast_convert_type3A_100 = tpu.bitcast %get3A_99 : vector<16xi32> -> vector<16xf32>
    %get3A_101 = arith.constant 16 : index
    %get3A_102 = tpu.vector_load %arg7[%get3A_101] {strides = array<i32>} : memref<512xi32, #tpu.memory_space<vmem>>, vector<16xi32>,
    %get3A_103 = vector.shape_cast %get3A_102 : vector<16xi32> to vector<16xi32>
    %bitcast_convert_type3A_104 = tpu.bitcast %get3A_103 : vector<16xi32> -> vector<16xf32>
    %get3A_105 = arith.constant 32 : index
    %get3A_106 = tpu.vector_load %arg7[%get3A_105] {strides = array<i32>} : memref<512xi32, #tpu.memory_space<vmem>>, vector<16xi32>,
    %get3A_107 = vector.shape_cast %get3A_106 : vector<16xi32> to vector<16xi32>
    %bitcast_convert_type3A_108 = tpu.bitcast %get3A_107 : vector<16xi32> -> vector<16xf32>
    %get3A_109 = arith.constant 48 : index
    %get3A_110 = tpu.vector_load %arg7[%get3A_109] {strides = array<i32>} : memref<512xi32, #tpu.memory_space<vmem>>, vector<16xi32>,
    %get3A_111 = vector.shape_cast %get3A_110 : vector<16xi32> to vector<16xi32>
    %bitcast_convert_type3A_112 = tpu.bitcast %get3A_111 : vector<16xi32> -> vector<16xf32>
    %get3A_113 = arith.constant 64 : index
    %get3A_114 = tpu.vector_load %arg7[%get3A_113] {strides = array<i32>} : memref<512xi32, #tpu.memory_space<vmem>>, vector<16xi32>,
    %get3A_115 = vector.shape_cast %get3A_114 : vector<16xi32> to vector<16xi32>
    %bitcast_convert_type3A_116 = tpu.bitcast %get3A_115 : vector<16xi32> -> vector<16xf32>
    %get3A_117 = arith.constant 80 : index
    %get3A_118 = tpu.vector_load %arg7[%get3A_117] {strides = array<i32>} : memref<512xi32, #tpu.memory_space<vmem>>, vector<16xi32>,
    %get3A_119 = vector.shape_cast %get3A_118 : vector<16xi32> to vector<16xi32>
    %bitcast_convert_type3A_120 = tpu.bitcast %get3A_119 : vector<16xi32> -> vector<16xf32>
    %get3A_121 = arith.constant 96 : index
    %get3A_122 = tpu.vector_load %arg7[%get3A_121] {strides = array<i32>} : memref<512xi32, #tpu.memory_space<vmem>>, vector<16xi32>,
    %get3A_123 = vector.shape_cast %get3A_122 : vector<16xi32> to vector<16xi32>
    %bitcast_convert_type3A_124 = tpu.bitcast %get3A_123 : vector<16xi32> -> vector<16xf32>
    %get3A_125 = arith.constant 112 : index
    %get3A_126 = tpu.vector_load %arg7[%get3A_125] {strides = array<i32>} : memref<512xi32, #tpu.memory_space<vmem>>, vector<16xi32>,
    %get3A_127 = vector.shape_cast %get3A_126 : vector<16xi32> to vector<16xi32>
    %bitcast_convert_type3A_128 = tpu.bitcast %get3A_127 : vector<16xi32> -> vector<16xf32>
    %get3A_129 = arith.constant 128 : index
    %get3A_130 = tpu.vector_load %arg7[%get3A_129] {strides = array<i32>} : memref<512xi32, #tpu.memory_space<vmem>>, vector<16xi32>,
    %get3A_131 = vector.shape_cast %get3A_130 : vector<16xi32> to vector<16xi32>
    %bitcast_convert_type3A_132 = tpu.bitcast %get3A_131 : vector<16xi32> -> vector<16xf32>
    %get3A_133 = arith.constant 144 : index
    %get3A_134 = tpu.vector_load %arg7[%get3A_133] {strides = array<i32>} : memref<512xi32, #tpu.memory_space<vmem>>, vector<16xi32>,
    %get3A_135 = vector.shape_cast %get3A_134 : vector<16xi32> to vector<16xi32>
    %bitcast_convert_type3A_136 = tpu.bitcast %get3A_135 : vector<16xi32> -> vector<16xf32>
    %get3A_137 = arith.constant 160 : index
    %get3A_138 = tpu.vector_load %arg7[%get3A_137] {strides = array<i32>} : memref<512xi32, #tpu.memory_space<vmem>>, vector<16xi32>,
    %get3A_139 = vector.shape_cast %get3A_138 : vector<16xi32> to vector<16xi32>
    %bitcast_convert_type3A_140 = tpu.bitcast %get3A_139 : vector<16xi32> -> vector<16xf32>
    %get3A_141 = arith.constant 176 : index
    %get3A_142 = tpu.vector_load %arg7[%get3A_141] {strides = array<i32>} : memref<512xi32, #tpu.memory_space<vmem>>, vector<16xi32>,
    %get3A_143 = vector.shape_cast %get3A_142 : vector<16xi32> to vector<16xi32>
    %bitcast_convert_type3A_144 = tpu.bitcast %get3A_143 : vector<16xi32> -> vector<16xf32>
    %get3A_145 = arith.constant 192 : index
    %get3A_146 = tpu.vector_load %arg7[%get3A_145] {strides = array<i32>} : memref<512xi32, #tpu.memory_space<vmem>>, vector<16xi32>,
    %get3A_147 = vector.shape_cast %get3A_146 : vector<16xi32> to vector<16xi32>
    %bitcast_convert_type3A_148 = tpu.bitcast %get3A_147 : vector<16xi32> -> vector<16xf32>
    %get3A_149 = arith.constant 208 : index
    %get3A_150 = tpu.vector_load %arg7[%get3A_149] {strides = array<i32>} : memref<512xi32, #tpu.memory_space<vmem>>, vector<16xi32>,
    %get3A_151 = vector.shape_cast %get3A_150 : vector<16xi32> to vector<16xi32>
    %bitcast_convert_type3A_152 = tpu.bitcast %get3A_151 : vector<16xi32> -> vector<16xf32>
    %get3A_153 = arith.constant 224 : index
    %get3A_154 = tpu.vector_load %arg7[%get3A_153] {strides = array<i32>} : memref<512xi32, #tpu.memory_space<vmem>>, vector<16xi32>,
    %get3A_155 = vector.shape_cast %get3A_154 : vector<16xi32> to vector<16xi32>
    %bitcast_convert_type3A_156 = tpu.bitcast %get3A_155 : vector<16xi32> -> vector<16xf32>
    %get3A_157 = arith.constant 240 : index
    %get3A_158 = tpu.vector_load %arg7[%get3A_157] {strides = array<i32>} : memref<512xi32, #tpu.memory_space<vmem>>, vector<16xi32>,
    %get3A_159 = vector.shape_cast %get3A_158 : vector<16xi32> to vector<16xi32>
    %bitcast_convert_type3A_160 = tpu.bitcast %get3A_159 : vector<16xi32> -> vector<16xf32>
    %scan3A = arith.constant 0 : i32
    %scan3A_161 = arith.constant 128 : i32
    %scan3A_162 = arith.addi %scan3A, %scan3A_161 : i32
    %scan3A_163 = arith.constant 2 : i32
    %scan3A_164:16 = scf.for %scan3A_364 = %scan3A to %scan3A_162 step %scan3A_163 iter_args(%scan3A_365 = %bitcast_convert_type3A_100, %scan3A_366 = %bitcast_convert_type3A_104, %scan3A_367 = %bitcast_convert_type3A_108, %scan3A_368 = %bitcast_convert_type3A_112, %scan3A_369 = %bitcast_convert_type3A_116, %scan3A_370 = %bitcast_convert_type3A_120, %scan3A_371 = %bitcast_convert_type3A_124, %scan3A_372 = %bitcast_convert_type3A_128, %scan3A_373 = %bitcast_convert_type3A_132, %scan3A_374 = %bitcast_convert_type3A_136, %scan3A_375 = %bitcast_convert_type3A_140, %scan3A_376 = %bitcast_convert_type3A_144, %scan3A_377 = %bitcast_convert_type3A_148, %scan3A_378 = %bitcast_convert_type3A_152, %scan3A_379 = %bitcast_convert_type3A_156, %scan3A_380 = %bitcast_convert_type3A_160) -> (vector<16xf32>, vector<16xf32>, vector<16xf32>, vector<16xf32>, vector<16xf32>, vector<16xf32>, vector<16xf32>, vector<16xf32>, vector<16xf32>, vector<16xf32>, vector<16xf32>, vector<16xf32>, vector<16xf32>, vector<16xf32>, vector<16xf32>, vector<16xf32>)  : i32 {
      %swap3A = arith.constant 0 : i32
      %swap3A_381 = arith.index_cast %swap3A : i32 to index
      %swap3A_382 = arith.index_cast %scan3A_364 : i32 to index
      %swap3A_383 = arith.constant 0 : index
      %swap3A_384 = tpu.vector_load %arg6[%swap3A_381, %swap3A_382, %swap3A_383] {strides = array<i32>} : memref<2x128x128xf32, #tpu.memory_space<vmem>>, vector<1x1x16xf32>,
      %swap3A_385 = vector.shape_cast %swap3A_384 : vector<1x1x16xf32> to vector<16xf32>
      %swap3A_386 = vector.shape_cast %scan3A_365 : vector<16xf32> to vector<1x1x16xf32>
      tpu.vector_store %arg6[%swap3A_381, %swap3A_382, %swap3A_383], %swap3A_386 {add = true, strides = array<i32>} : memref<2x128x128xf32, #tpu.memory_space<vmem>>, vector<1x1x16xf32>,
      %mul3A_387 = arith.mulf %scan3A_365, %bitcast_convert_type3A : vector<16xf32>
      %mul3A_388 = arith.mulf %scan3A_373, %bitcast_convert_type3A_68 : vector<16xf32>
      %add3A_389 = arith.addf %mul3A_387, %mul3A_388 : vector<16xf32>
      %mul3A_390 = arith.mulf %scan3A_373, %bitcast_convert_type3A : vector<16xf32>
      %mul3A_391 = arith.mulf %scan3A_365, %bitcast_convert_type3A_68 : vector<16xf32>
      %sub3A = arith.subf %mul3A_390, %mul3A_391 : vector<16xf32>
      %swap3A_392 = arith.constant 0 : i32
      %swap3A_393 = arith.index_cast %swap3A_392 : i32 to index
      %swap3A_394 = arith.index_cast %scan3A_364 : i32 to index
      %swap3A_395 = arith.constant 16 : index
      %swap3A_396 = tpu.vector_load %arg6[%swap3A_393, %swap3A_394, %swap3A_395] {strides = array<i32>} : memref<2x128x128xf32, #tpu.memory_space<vmem>>, vector<1x1x16xf32>,
      %swap3A_397 = vector.shape_cast %swap3A_396 : vector<1x1x16xf32> to vector<16xf32>
      %swap3A_398 = vector.shape_cast %scan3A_366 : vector<16xf32> to vector<1x1x16xf32>
      tpu.vector_store %arg6[%swap3A_393, %swap3A_394, %swap3A_395], %swap3A_398 {add = true, strides = array<i32>} : memref<2x128x128xf32, #tpu.memory_space<vmem>>, vector<1x1x16xf32>,
      %mul3A_399 = arith.mulf %scan3A_366, %bitcast_convert_type3A_40 : vector<16xf32>
      %mul3A_400 = arith.mulf %scan3A_374, %bitcast_convert_type3A_72 : vector<16xf32>
      %add3A_401 = arith.addf %mul3A_399, %mul3A_400 : vector<16xf32>
      %mul3A_402 = arith.mulf %scan3A_374, %bitcast_convert_type3A_40 : vector<16xf32>
      %mul3A_403 = arith.mulf %scan3A_366, %bitcast_convert_type3A_72 : vector<16xf32>
      %sub3A_404 = arith.subf %mul3A_402, %mul3A_403 : vector<16xf32>
      %swap3A_405 = arith.constant 0 : i32
      %swap3A_406 = arith.index_cast %swap3A_405 : i32 to index
      %swap3A_407 = arith.index_cast %scan3A_364 : i32 to index
      %swap3A_408 = arith.constant 32 : index
      %swap3A_409 = tpu.vector_load %arg6[%swap3A_406, %swap3A_407, %swap3A_408] {strides = array<i32>} : memref<2x128x128xf32, #tpu.memory_space<vmem>>, vector<1x1x16xf32>,
      %swap3A_410 = vector.shape_cast %swap3A_409 : vector<1x1x16xf32> to vector<16xf32>
      %swap3A_411 = vector.shape_cast %scan3A_367 : vector<16xf32> to vector<1x1x16xf32>
      tpu.vector_store %arg6[%swap3A_406, %swap3A_407, %swap3A_408], %swap3A_411 {add = true, strides = array<i32>} : memref<2x128x128xf32, #tpu.memory_space<vmem>>, vector<1x1x16xf32>,
      %mul3A_412 = arith.mulf %scan3A_367, %bitcast_convert_type3A_44 : vector<16xf32>
      %mul3A_413 = arith.mulf %scan3A_375, %bitcast_convert_type3A_76 : vector<16xf32>
      %add3A_414 = arith.addf %mul3A_412, %mul3A_413 : vector<16xf32>
      %mul3A_415 = arith.mulf %scan3A_375, %bitcast_convert_type3A_44 : vector<16xf32>
      %mul3A_416 = arith.mulf %scan3A_367, %bitcast_convert_type3A_76 : vector<16xf32>
      %sub3A_417 = arith.subf %mul3A_415, %mul3A_416 : vector<16xf32>
      %swap3A_418 = arith.constant 0 : i32
      %swap3A_419 = arith.index_cast %swap3A_418 : i32 to index
      %swap3A_420 = arith.index_cast %scan3A_364 : i32 to index
      %swap3A_421 = arith.constant 48 : index
      %swap3A_422 = tpu.vector_load %arg6[%swap3A_419, %swap3A_420, %swap3A_421] {strides = array<i32>} : memref<2x128x128xf32, #tpu.memory_space<vmem>>, vector<1x1x16xf32>,
      %swap3A_423 = vector.shape_cast %swap3A_422 : vector<1x1x16xf32> to vector<16xf32>
      %swap3A_424 = vector.shape_cast %scan3A_368 : vector<16xf32> to vector<1x1x16xf32>
      tpu.vector_store %arg6[%swap3A_419, %swap3A_420, %swap3A_421], %swap3A_424 {add = true, strides = array<i32>} : memref<2x128x128xf32, #tpu.memory_space<vmem>>, vector<1x1x16xf32>,
      %mul3A_425 = arith.mulf %scan3A_368, %bitcast_convert_type3A_48 : vector<16xf32>
      %mul3A_426 = arith.mulf %scan3A_376, %bitcast_convert_type3A_80 : vector<16xf32>
      %add3A_427 = arith.addf %mul3A_425, %mul3A_426 : vector<16xf32>
      %mul3A_428 = arith.mulf %scan3A_376, %bitcast_convert_type3A_48 : vector<16xf32>
      %mul3A_429 = arith.mulf %scan3A_368, %bitcast_convert_type3A_80 : vector<16xf32>
      %sub3A_430 = arith.subf %mul3A_428, %mul3A_429 : vector<16xf32>
      %swap3A_431 = arith.constant 0 : i32
      %swap3A_432 = arith.index_cast %swap3A_431 : i32 to index
      %swap3A_433 = arith.index_cast %scan3A_364 : i32 to index
      %swap3A_434 = arith.constant 64 : index
      %swap3A_435 = tpu.vector_load %arg6[%swap3A_432, %swap3A_433, %swap3A_434] {strides = array<i32>} : memref<2x128x128xf32, #tpu.memory_space<vmem>>, vector<1x1x16xf32>,
      %swap3A_436 = vector.shape_cast %swap3A_435 : vector<1x1x16xf32> to vector<16xf32>
      %swap3A_437 = vector.shape_cast %scan3A_369 : vector<16xf32> to vector<1x1x16xf32>
      tpu.vector_store %arg6[%swap3A_432, %swap3A_433, %swap3A_434], %swap3A_437 {add = true, strides = array<i32>} : memref<2x128x128xf32, #tpu.memory_space<vmem>>, vector<1x1x16xf32>,
      %mul3A_438 = arith.mulf %scan3A_369, %bitcast_convert_type3A_52 : vector<16xf32>
      %mul3A_439 = arith.mulf %scan3A_377, %bitcast_convert_type3A_84 : vector<16xf32>
      %add3A_440 = arith.addf %mul3A_438, %mul3A_439 : vector<16xf32>
      %mul3A_441 = arith.mulf %scan3A_377, %bitcast_convert_type3A_52 : vector<16xf32>
      %mul3A_442 = arith.mulf %scan3A_369, %bitcast_convert_type3A_84 : vector<16xf32>
      %sub3A_443 = arith.subf %mul3A_441, %mul3A_442 : vector<16xf32>
      %swap3A_444 = arith.constant 0 : i32
      %swap3A_445 = arith.index_cast %swap3A_444 : i32 to index
      %swap3A_446 = arith.index_cast %scan3A_364 : i32 to index
      %swap3A_447 = arith.constant 80 : index
      %swap3A_448 = tpu.vector_load %arg6[%swap3A_445, %swap3A_446, %swap3A_447] {strides = array<i32>} : memref<2x128x128xf32, #tpu.memory_space<vmem>>, vector<1x1x16xf32>,
      %swap3A_449 = vector.shape_cast %swap3A_448 : vector<1x1x16xf32> to vector<16xf32>
      %swap3A_450 = vector.shape_cast %scan3A_370 : vector<16xf32> to vector<1x1x16xf32>
      tpu.vector_store %arg6[%swap3A_445, %swap3A_446, %swap3A_447], %swap3A_450 {add = true, strides = array<i32>} : memref<2x128x128xf32, #tpu.memory_space<vmem>>, vector<1x1x16xf32>,
      %mul3A_451 = arith.mulf %scan3A_370, %bitcast_convert_type3A_56 : vector<16xf32>
      %mul3A_452 = arith.mulf %scan3A_378, %bitcast_convert_type3A_88 : vector<16xf32>
      %add3A_453 = arith.addf %mul3A_451, %mul3A_452 : vector<16xf32>
      %mul3A_454 = arith.mulf %scan3A_378, %bitcast_convert_type3A_56 : vector<16xf32>
      %mul3A_455 = arith.mulf %scan3A_370, %bitcast_convert_type3A_88 : vector<16xf32>
      %sub3A_456 = arith.subf %mul3A_454, %mul3A_455 : vector<16xf32>
      %swap3A_457 = arith.constant 0 : i32
      %swap3A_458 = arith.index_cast %swap3A_457 : i32 to index
      %swap3A_459 = arith.index_cast %scan3A_364 : i32 to index
      %swap3A_460 = arith.constant 96 : index
      %swap3A_461 = tpu.vector_load %arg6[%swap3A_458, %swap3A_459, %swap3A_460] {strides = array<i32>} : memref<2x128x128xf32, #tpu.memory_space<vmem>>, vector<1x1x16xf32>,
      %swap3A_462 = vector.shape_cast %swap3A_461 : vector<1x1x16xf32> to vector<16xf32>
      %swap3A_463 = vector.shape_cast %scan3A_371 : vector<16xf32> to vector<1x1x16xf32>
      tpu.vector_store %arg6[%swap3A_458, %swap3A_459, %swap3A_460], %swap3A_463 {add = true, strides = array<i32>} : memref<2x128x128xf32, #tpu.memory_space<vmem>>, vector<1x1x16xf32>,
      %mul3A_464 = arith.mulf %scan3A_371, %bitcast_convert_type3A_60 : vector<16xf32>
      %mul3A_465 = arith.mulf %scan3A_379, %bitcast_convert_type3A_92 : vector<16xf32>
      %add3A_466 = arith.addf %mul3A_464, %mul3A_465 : vector<16xf32>
      %mul3A_467 = arith.mulf %scan3A_379, %bitcast_convert_type3A_60 : vector<16xf32>
      %mul3A_468 = arith.mulf %scan3A_371, %bitcast_convert_type3A_92 : vector<16xf32>
      %sub3A_469 = arith.subf %mul3A_467, %mul3A_468 : vector<16xf32>
      %swap3A_470 = arith.constant 0 : i32
      %swap3A_471 = arith.index_cast %swap3A_470 : i32 to index
      %swap3A_472 = arith.index_cast %scan3A_364 : i32 to index
      %swap3A_473 = arith.constant 112 : index
      %swap3A_474 = tpu.vector_load %arg6[%swap3A_471, %swap3A_472, %swap3A_473] {strides = array<i32>} : memref<2x128x128xf32, #tpu.memory_space<vmem>>, vector<1x1x16xf32>,
      %swap3A_475 = vector.shape_cast %swap3A_474 : vector<1x1x16xf32> to vector<16xf32>
      %swap3A_476 = vector.shape_cast %scan3A_372 : vector<16xf32> to vector<1x1x16xf32>
      tpu.vector_store %arg6[%swap3A_471, %swap3A_472, %swap3A_473], %swap3A_476 {add = true, strides = array<i32>} : memref<2x128x128xf32, #tpu.memory_space<vmem>>, vector<1x1x16xf32>,
      %mul3A_477 = arith.mulf %scan3A_372, %bitcast_convert_type3A_64 : vector<16xf32>
      %mul3A_478 = arith.mulf %scan3A_380, %bitcast_convert_type3A_96 : vector<16xf32>
      %add3A_479 = arith.addf %mul3A_477, %mul3A_478 : vector<16xf32>
      %mul3A_480 = arith.mulf %scan3A_380, %bitcast_convert_type3A_64 : vector<16xf32>
      %mul3A_481 = arith.mulf %scan3A_372, %bitcast_convert_type3A_96 : vector<16xf32>
      %sub3A_482 = arith.subf %mul3A_480, %mul3A_481 : vector<16xf32>
      %scan3A_483 = arith.constant 1 : i32
      %scan3A_484 = arith.addi %scan3A_364, %scan3A_483 : i32
      %swap3A_485 = arith.constant 0 : i32
      %swap3A_486 = arith.index_cast %swap3A_485 : i32 to index
      %swap3A_487 = arith.index_cast %scan3A_484 : i32 to index
      %swap3A_488 = arith.constant 0 : index
      %swap3A_489 = tpu.vector_load %arg6[%swap3A_486, %swap3A_487, %swap3A_488] {strides = array<i32>} : memref<2x128x128xf32, #tpu.memory_space<vmem>>, vector<1x1x16xf32>,
      %swap3A_490 = vector.shape_cast %swap3A_489 : vector<1x1x16xf32> to vector<16xf32>
      %swap3A_491 = vector.shape_cast %add3A_389 : vector<16xf32> to vector<1x1x16xf32>
      tpu.vector_store %arg6[%swap3A_486, %swap3A_487, %swap3A_488], %swap3A_491 {add = true, strides = array<i32>} : memref<2x128x128xf32, #tpu.memory_space<vmem>>, vector<1x1x16xf32>,
      %mul3A_492 = arith.mulf %add3A_389, %bitcast_convert_type3A : vector<16xf32>
      %mul3A_493 = arith.mulf %sub3A, %bitcast_convert_type3A_68 : vector<16xf32>
      %add3A_494 = arith.addf %mul3A_492, %mul3A_493 : vector<16xf32>
      %mul3A_495 = arith.mulf %sub3A, %bitcast_convert_type3A : vector<16xf32>
      %mul3A_496 = arith.mulf %add3A_389, %bitcast_convert_type3A_68 : vector<16xf32>
      %sub3A_497 = arith.subf %mul3A_495, %mul3A_496 : vector<16xf32>
      %swap3A_498 = arith.constant 0 : i32
      %swap3A_499 = arith.index_cast %swap3A_498 : i32 to index
      %swap3A_500 = arith.index_cast %scan3A_484 : i32 to index
      %swap3A_501 = arith.constant 16 : index
      %swap3A_502 = tpu.vector_load %arg6[%swap3A_499, %swap3A_500, %swap3A_501] {strides = array<i32>} : memref<2x128x128xf32, #tpu.memory_space<vmem>>, vector<1x1x16xf32>,
      %swap3A_503 = vector.shape_cast %swap3A_502 : vector<1x1x16xf32> to vector<16xf32>
      %swap3A_504 = vector.shape_cast %add3A_401 : vector<16xf32> to vector<1x1x16xf32>
      tpu.vector_store %arg6[%swap3A_499, %swap3A_500, %swap3A_501], %swap3A_504 {add = true, strides = array<i32>} : memref<2x128x128xf32, #tpu.memory_space<vmem>>, vector<1x1x16xf32>,
      %mul3A_505 = arith.mulf %add3A_401, %bitcast_convert_type3A_40 : vector<16xf32>
      %mul3A_506 = arith.mulf %sub3A_404, %bitcast_convert_type3A_72 : vector<16xf32>
      %add3A_507 = arith.addf %mul3A_505, %mul3A_506 : vector<16xf32>
      %mul3A_508 = arith.mulf %sub3A_404, %bitcast_convert_type3A_40 : vector<16xf32>
      %mul3A_509 = arith.mulf %add3A_401, %bitcast_convert_type3A_72 : vector<16xf32>
      %sub3A_510 = arith.subf %mul3A_508, %mul3A_509 : vector<16xf32>
      %swap3A_511 = arith.constant 0 : i32
      %swap3A_512 = arith.index_cast %swap3A_511 : i32 to index
      %swap3A_513 = arith.index_cast %scan3A_484 : i32 to index
      %swap3A_514 = arith.constant 32 : index
      %swap3A_515 = tpu.vector_load %arg6[%swap3A_512, %swap3A_513, %swap3A_514] {strides = array<i32>} : memref<2x128x128xf32, #tpu.memory_space<vmem>>, vector<1x1x16xf32>,
      %swap3A_516 = vector.shape_cast %swap3A_515 : vector<1x1x16xf32> to vector<16xf32>
      %swap3A_517 = vector.shape_cast %add3A_414 : vector<16xf32> to vector<1x1x16xf32>
      tpu.vector_store %arg6[%swap3A_512, %swap3A_513, %swap3A_514], %swap3A_517 {add = true, strides = array<i32>} : memref<2x128x128xf32, #tpu.memory_space<vmem>>, vector<1x1x16xf32>,
      %mul3A_518 = arith.mulf %add3A_414, %bitcast_convert_type3A_44 : vector<16xf32>
      %mul3A_519 = arith.mulf %sub3A_417, %bitcast_convert_type3A_76 : vector<16xf32>
      %add3A_520 = arith.addf %mul3A_518, %mul3A_519 : vector<16xf32>
      %mul3A_521 = arith.mulf %sub3A_417, %bitcast_convert_type3A_44 : vector<16xf32>
      %mul3A_522 = arith.mulf %add3A_414, %bitcast_convert_type3A_76 : vector<16xf32>
      %sub3A_523 = arith.subf %mul3A_521, %mul3A_522 : vector<16xf32>
      %swap3A_524 = arith.constant 0 : i32
      %swap3A_525 = arith.index_cast %swap3A_524 : i32 to index
      %swap3A_526 = arith.index_cast %scan3A_484 : i32 to index
      %swap3A_527 = arith.constant 48 : index
      %swap3A_528 = tpu.vector_load %arg6[%swap3A_525, %swap3A_526, %swap3A_527] {strides = array<i32>} : memref<2x128x128xf32, #tpu.memory_space<vmem>>, vector<1x1x16xf32>,
      %swap3A_529 = vector.shape_cast %swap3A_528 : vector<1x1x16xf32> to vector<16xf32>
      %swap3A_530 = vector.shape_cast %add3A_427 : vector<16xf32> to vector<1x1x16xf32>
      tpu.vector_store %arg6[%swap3A_525, %swap3A_526, %swap3A_527], %swap3A_530 {add = true, strides = array<i32>} : memref<2x128x128xf32, #tpu.memory_space<vmem>>, vector<1x1x16xf32>,
      %mul3A_531 = arith.mulf %add3A_427, %bitcast_convert_type3A_48 : vector<16xf32>
      %mul3A_532 = arith.mulf %sub3A_430, %bitcast_convert_type3A_80 : vector<16xf32>
      %add3A_533 = arith.addf %mul3A_531, %mul3A_532 : vector<16xf32>
      %mul3A_534 = arith.mulf %sub3A_430, %bitcast_convert_type3A_48 : vector<16xf32>
      %mul3A_535 = arith.mulf %add3A_427, %bitcast_convert_type3A_80 : vector<16xf32>
      %sub3A_536 = arith.subf %mul3A_534, %mul3A_535 : vector<16xf32>
      %swap3A_537 = arith.constant 0 : i32
      %swap3A_538 = arith.index_cast %swap3A_537 : i32 to index
      %swap3A_539 = arith.index_cast %scan3A_484 : i32 to index
      %swap3A_540 = arith.constant 64 : index
      %swap3A_541 = tpu.vector_load %arg6[%swap3A_538, %swap3A_539, %swap3A_540] {strides = array<i32>} : memref<2x128x128xf32, #tpu.memory_space<vmem>>, vector<1x1x16xf32>,
      %swap3A_542 = vector.shape_cast %swap3A_541 : vector<1x1x16xf32> to vector<16xf32>
      %swap3A_543 = vector.shape_cast %add3A_440 : vector<16xf32> to vector<1x1x16xf32>
      tpu.vector_store %arg6[%swap3A_538, %swap3A_539, %swap3A_540], %swap3A_543 {add = true, strides = array<i32>} : memref<2x128x128xf32, #tpu.memory_space<vmem>>, vector<1x1x16xf32>,
      %mul3A_544 = arith.mulf %add3A_440, %bitcast_convert_type3A_52 : vector<16xf32>
      %mul3A_545 = arith.mulf %sub3A_443, %bitcast_convert_type3A_84 : vector<16xf32>
      %add3A_546 = arith.addf %mul3A_544, %mul3A_545 : vector<16xf32>
      %mul3A_547 = arith.mulf %sub3A_443, %bitcast_convert_type3A_52 : vector<16xf32>
      %mul3A_548 = arith.mulf %add3A_440, %bitcast_convert_type3A_84 : vector<16xf32>
      %sub3A_549 = arith.subf %mul3A_547, %mul3A_548 : vector<16xf32>
      %swap3A_550 = arith.constant 0 : i32
      %swap3A_551 = arith.index_cast %swap3A_550 : i32 to index
      %swap3A_552 = arith.index_cast %scan3A_484 : i32 to index
      %swap3A_553 = arith.constant 80 : index
      %swap3A_554 = tpu.vector_load %arg6[%swap3A_551, %swap3A_552, %swap3A_553] {strides = array<i32>} : memref<2x128x128xf32, #tpu.memory_space<vmem>>, vector<1x1x16xf32>,
      %swap3A_555 = vector.shape_cast %swap3A_554 : vector<1x1x16xf32> to vector<16xf32>
      %swap3A_556 = vector.shape_cast %add3A_453 : vector<16xf32> to vector<1x1x16xf32>
      tpu.vector_store %arg6[%swap3A_551, %swap3A_552, %swap3A_553], %swap3A_556 {add = true, strides = array<i32>} : memref<2x128x128xf32, #tpu.memory_space<vmem>>, vector<1x1x16xf32>,
      %mul3A_557 = arith.mulf %add3A_453, %bitcast_convert_type3A_56 : vector<16xf32>
      %mul3A_558 = arith.mulf %sub3A_456, %bitcast_convert_type3A_88 : vector<16xf32>
      %add3A_559 = arith.addf %mul3A_557, %mul3A_558 : vector<16xf32>
      %mul3A_560 = arith.mulf %sub3A_456, %bitcast_convert_type3A_56 : vector<16xf32>
      %mul3A_561 = arith.mulf %add3A_453, %bitcast_convert_type3A_88 : vector<16xf32>
      %sub3A_562 = arith.subf %mul3A_560, %mul3A_561 : vector<16xf32>
      %swap3A_563 = arith.constant 0 : i32
      %swap3A_564 = arith.index_cast %swap3A_563 : i32 to index
      %swap3A_565 = arith.index_cast %scan3A_484 : i32 to index
      %swap3A_566 = arith.constant 96 : index
      %swap3A_567 = tpu.vector_load %arg6[%swap3A_564, %swap3A_565, %swap3A_566] {strides = array<i32>} : memref<2x128x128xf32, #tpu.memory_space<vmem>>, vector<1x1x16xf32>,
      %swap3A_568 = vector.shape_cast %swap3A_567 : vector<1x1x16xf32> to vector<16xf32>
      %swap3A_569 = vector.shape_cast %add3A_466 : vector<16xf32> to vector<1x1x16xf32>
      tpu.vector_store %arg6[%swap3A_564, %swap3A_565, %swap3A_566], %swap3A_569 {add = true, strides = array<i32>} : memref<2x128x128xf32, #tpu.memory_space<vmem>>, vector<1x1x16xf32>,
      %mul3A_570 = arith.mulf %add3A_466, %bitcast_convert_type3A_60 : vector<16xf32>
      %mul3A_571 = arith.mulf %sub3A_469, %bitcast_convert_type3A_92 : vector<16xf32>
      %add3A_572 = arith.addf %mul3A_570, %mul3A_571 : vector<16xf32>
      %mul3A_573 = arith.mulf %sub3A_469, %bitcast_convert_type3A_60 : vector<16xf32>
      %mul3A_574 = arith.mulf %add3A_466, %bitcast_convert_type3A_92 : vector<16xf32>
      %sub3A_575 = arith.subf %mul3A_573, %mul3A_574 : vector<16xf32>
      %swap3A_576 = arith.constant 0 : i32
      %swap3A_577 = arith.index_cast %swap3A_576 : i32 to index
      %swap3A_578 = arith.index_cast %scan3A_484 : i32 to index
      %swap3A_579 = arith.constant 112 : index
      %swap3A_580 = tpu.vector_load %arg6[%swap3A_577, %swap3A_578, %swap3A_579] {strides = array<i32>} : memref<2x128x128xf32, #tpu.memory_space<vmem>>, vector<1x1x16xf32>,
      %swap3A_581 = vector.shape_cast %swap3A_580 : vector<1x1x16xf32> to vector<16xf32>
      %swap3A_582 = vector.shape_cast %add3A_479 : vector<16xf32> to vector<1x1x16xf32>
      tpu.vector_store %arg6[%swap3A_577, %swap3A_578, %swap3A_579], %swap3A_582 {add = true, strides = array<i32>} : memref<2x128x128xf32, #tpu.memory_space<vmem>>, vector<1x1x16xf32>,
      %mul3A_583 = arith.mulf %add3A_479, %bitcast_convert_type3A_64 : vector<16xf32>
      %mul3A_584 = arith.mulf %sub3A_482, %bitcast_convert_type3A_96 : vector<16xf32>
      %add3A_585 = arith.addf %mul3A_583, %mul3A_584 : vector<16xf32>
      %mul3A_586 = arith.mulf %sub3A_482, %bitcast_convert_type3A_64 : vector<16xf32>
      %mul3A_587 = arith.mulf %add3A_479, %bitcast_convert_type3A_96 : vector<16xf32>
      %sub3A_588 = arith.subf %mul3A_586, %mul3A_587 : vector<16xf32>
      scf.yield %add3A_494, %add3A_507, %add3A_520, %add3A_533, %add3A_546, %add3A_559, %add3A_572, %add3A_585, %sub3A_497, %sub3A_510, %sub3A_523, %sub3A_536, %sub3A_549, %sub3A_562, %sub3A_575, %sub3A_588 : vector<16xf32>, vector<16xf32>, vector<16xf32>, vector<16xf32>, vector<16xf32>, vector<16xf32>, vector<16xf32>, vector<16xf32>, vector<16xf32>, vector<16xf32>, vector<16xf32>, vector<16xf32>, vector<16xf32>, vector<16xf32>, vector<16xf32>, vector<16xf32>
    }
    %scan3A_165 = arith.constant 128 : i32
    %dma_start3A_166 = arith.constant 0 : i32
    %dma_start3A_167 = arith.constant 0 : i32
    %dma_start3A_168 = arith.constant 0 : i32
    %dma_start3A_169 = tpu.memref_slice %arg6[%dma_start3A_166, %dma_start3A_167, %dma_start3A_168] : memref<2x128x128xf32, #tpu.memory_space<vmem>> -> memref<1x128x128xf32, #tpu.memory_space<vmem>>
    %dma_start3A_170 = tpu.memref_squeeze %dma_start3A_169 : memref<1x128x128xf32, #tpu.memory_space<vmem>> -> memref<128x128xf32, #tpu.memory_space<vmem>>
    %dma_start3A_171 = arith.constant 0 : i32
    %dma_start3A_172 = tpu.memref_slice %arg4[%mul3A_2, %dma_start3A_171] : memref<8192x128xf32, #tpu.memory_space<hbm>> -> memref<128x128xf32, #tpu.memory_space<hbm>>
    %dma_start3A_173 = arith.constant 0 : i32
    %dma_start3A_174 = tpu.memref_slice %arg4[%mul3A_2, %dma_start3A_173] : memref<8192x128xf32, #tpu.memory_space<hbm>> -> memref<128x128xf32, #tpu.memory_space<hbm>>
    %dma_start3A_175 = arith.constant 0 : i32
    %dma_start3A_176 = arith.constant 0 : i32
    %dma_start3A_177 = tpu.memref_slice %arg6[%dma_start3A_166, %dma_start3A_175, %dma_start3A_176] : memref<2x128x128xf32, #tpu.memory_space<vmem>> -> memref<1x128x128xf32, #tpu.memory_space<vmem>>
    %dma_start3A_178 = tpu.memref_squeeze %dma_start3A_177 : memref<1x128x128xf32, #tpu.memory_space<vmem>> -> memref<128x128xf32, #tpu.memory_space<vmem>>
    tpu.enqueue_dma source(%dma_start3A_178 : memref<128x128xf32, #tpu.memory_space<vmem>>) target(%dma_start3A_174 : memref<128x128xf32, #tpu.memory_space<hbm>>) target_semaphore(%arg11 : memref<!tpu.dma_semaphore, #tpu.memory_space<semaphore_mem>>)
    %dma_wait3A_179 = arith.constant 1 : i32
    %dma_wait3A_180 = arith.constant 0 : i32
    %dma_wait3A_181 = arith.constant 0 : i32
    %dma_wait3A_182 = tpu.memref_slice %arg6[%dma_wait3A_179, %dma_wait3A_180, %dma_wait3A_181] : memref<2x128x128xf32, #tpu.memory_space<vmem>> -> memref<1x128x128xf32, #tpu.memory_space<vmem>>
    %dma_wait3A_183 = tpu.memref_squeeze %dma_wait3A_182 : memref<1x128x128xf32, #tpu.memory_space<vmem>> -> memref<128x128xf32, #tpu.memory_space<vmem>>
    %dma_wait3A_184 = arith.constant 128 : i32
    %dma_wait3A_185 = tpu.memref_slice %arg5[%dma_wait3A_184] : memref<256xi32, #tpu.memory_space<vmem>> -> memref<128xi32, #tpu.memory_space<vmem>>
    %dma_wait3A_186 = arith.constant 0 : i32
    %dma_wait3A_187 = arith.constant 0 : i32
    %dma_wait3A_188 = tpu.memref_slice %arg2[%dma_wait3A_186, %dma_wait3A_187] : memref<1000000x128xf32, #tpu.memory_space<hbm>> -> memref<1000000x128xf32, #tpu.memory_space<hbm>>
    tpu.wait_indirect_dma semaphore(%arg10 : memref<!tpu.dma_semaphore, #tpu.memory_space<semaphore_mem>>) src(%dma_wait3A_188 : memref<1000000x128xf32, #tpu.memory_space<hbm>>) dst(%dma_wait3A_183 : memref<128x128xf32, #tpu.memory_space<vmem>>)
    %get3A_189 = arith.constant 0 : index
    %get3A_190 = tpu.vector_load %arg8[%get3A_189] {strides = array<i32>} : memref<256xi32, #tpu.memory_space<vmem>>, vector<16xi32>,
    %get3A_191 = vector.shape_cast %get3A_190 : vector<16xi32> to vector<16xi32>
    %bitcast_convert_type3A_192 = tpu.bitcast %get3A_191 : vector<16xi32> -> vector<16xf32>
    %get3A_193 = arith.constant 16 : index
    %get3A_194 = tpu.vector_load %arg8[%get3A_193] {strides = array<i32>} : memref<256xi32, #tpu.memory_space<vmem>>, vector<16xi32>,
    %get3A_195 = vector.shape_cast %get3A_194 : vector<16xi32> to vector<16xi32>
    %bitcast_convert_type3A_196 = tpu.bitcast %get3A_195 : vector<16xi32> -> vector<16xf32>
    %get3A_197 = arith.constant 32 : index
    %get3A_198 = tpu.vector_load %arg8[%get3A_197] {strides = array<i32>} : memref<256xi32, #tpu.memory_space<vmem>>, vector<16xi32>,
    %get3A_199 = vector.shape_cast %get3A_198 : vector<16xi32> to vector<16xi32>
    %bitcast_convert_type3A_200 = tpu.bitcast %get3A_199 : vector<16xi32> -> vector<16xf32>
    %get3A_201 = arith.constant 48 : index
    %get3A_202 = tpu.vector_load %arg8[%get3A_201] {strides = array<i32>} : memref<256xi32, #tpu.memory_space<vmem>>, vector<16xi32>,
    %get3A_203 = vector.shape_cast %get3A_202 : vector<16xi32> to vector<16xi32>
    %bitcast_convert_type3A_204 = tpu.bitcast %get3A_203 : vector<16xi32> -> vector<16xf32>
    %get3A_205 = arith.constant 64 : index
    %get3A_206 = tpu.vector_load %arg8[%get3A_205] {strides = array<i32>} : memref<256xi32, #tpu.memory_space<vmem>>, vector<16xi32>,
    %get3A_207 = vector.shape_cast %get3A_206 : vector<16xi32> to vector<16xi32>
    %bitcast_convert_type3A_208 = tpu.bitcast %get3A_207 : vector<16xi32> -> vector<16xf32>
    %get3A_209 = arith.constant 80 : index
    %get3A_210 = tpu.vector_load %arg8[%get3A_209] {strides = array<i32>} : memref<256xi32, #tpu.memory_space<vmem>>, vector<16xi32>,
    %get3A_211 = vector.shape_cast %get3A_210 : vector<16xi32> to vector<16xi32>
    %bitcast_convert_type3A_212 = tpu.bitcast %get3A_211 : vector<16xi32> -> vector<16xf32>
    %get3A_213 = arith.constant 96 : index
    %get3A_214 = tpu.vector_load %arg8[%get3A_213] {strides = array<i32>} : memref<256xi32, #tpu.memory_space<vmem>>, vector<16xi32>,
    %get3A_215 = vector.shape_cast %get3A_214 : vector<16xi32> to vector<16xi32>
    %bitcast_convert_type3A_216 = tpu.bitcast %get3A_215 : vector<16xi32> -> vector<16xf32>
    %get3A_217 = arith.constant 112 : index
    %get3A_218 = tpu.vector_load %arg8[%get3A_217] {strides = array<i32>} : memref<256xi32, #tpu.memory_space<vmem>>, vector<16xi32>,
    %get3A_219 = vector.shape_cast %get3A_218 : vector<16xi32> to vector<16xi32>
    %bitcast_convert_type3A_220 = tpu.bitcast %get3A_219 : vector<16xi32> -> vector<16xf32>
    %get3A_221 = arith.constant 128 : index
    %get3A_222 = tpu.vector_load %arg8[%get3A_221] {strides = array<i32>} : memref<256xi32, #tpu.memory_space<vmem>>, vector<16xi32>,
    %get3A_223 = vector.shape_cast %get3A_222 : vector<16xi32> to vector<16xi32>
    %bitcast_convert_type3A_224 = tpu.bitcast %get3A_223 : vector<16xi32> -> vector<16xf32>
    %get3A_225 = arith.constant 144 : index
    %get3A_226 = tpu.vector_load %arg8[%get3A_225] {strides = array<i32>} : memref<256xi32, #tpu.memory_space<vmem>>, vector<16xi32>,
    %get3A_227 = vector.shape_cast %get3A_226 : vector<16xi32> to vector<16xi32>
    %bitcast_convert_type3A_228 = tpu.bitcast %get3A_227 : vector<16xi32> -> vector<16xf32>
    %get3A_229 = arith.constant 160 : index
    %get3A_230 = tpu.vector_load %arg8[%get3A_229] {strides = array<i32>} : memref<256xi32, #tpu.memory_space<vmem>>, vector<16xi32>,
    %get3A_231 = vector.shape_cast %get3A_230 : vector<16xi32> to vector<16xi32>
    %bitcast_convert_type3A_232 = tpu.bitcast %get3A_231 : vector<16xi32> -> vector<16xf32>
    %get3A_233 = arith.constant 176 : index
    %get3A_234 = tpu.vector_load %arg8[%get3A_233] {strides = array<i32>} : memref<256xi32, #tpu.memory_space<vmem>>, vector<16xi32>,
    %get3A_235 = vector.shape_cast %get3A_234 : vector<16xi32> to vector<16xi32>
    %bitcast_convert_type3A_236 = tpu.bitcast %get3A_235 : vector<16xi32> -> vector<16xf32>
    %get3A_237 = arith.constant 192 : index
    %get3A_238 = tpu.vector_load %arg8[%get3A_237] {strides = array<i32>} : memref<256xi32, #tpu.memory_space<vmem>>, vector<16xi32>,
    %get3A_239 = vector.shape_cast %get3A_238 : vector<16xi32> to vector<16xi32>
    %bitcast_convert_type3A_240 = tpu.bitcast %get3A_239 : vector<16xi32> -> vector<16xf32>
    %get3A_241 = arith.constant 208 : index
    %get3A_242 = tpu.vector_load %arg8[%get3A_241] {strides = array<i32>} : memref<256xi32, #tpu.memory_space<vmem>>, vector<16xi32>,
    %get3A_243 = vector.shape_cast %get3A_242 : vector<16xi32> to vector<16xi32>
    %bitcast_convert_type3A_244 = tpu.bitcast %get3A_243 : vector<16xi32> -> vector<16xf32>
    %get3A_245 = arith.constant 224 : index
    %get3A_246 = tpu.vector_load %arg8[%get3A_245] {strides = array<i32>} : memref<256xi32, #tpu.memory_space<vmem>>, vector<16xi32>,
    %get3A_247 = vector.shape_cast %get3A_246 : vector<16xi32> to vector<16xi32>
    %bitcast_convert_type3A_248 = tpu.bitcast %get3A_247 : vector<16xi32> -> vector<16xf32>
    %get3A_249 = arith.constant 240 : index
    %get3A_250 = tpu.vector_load %arg8[%get3A_249] {strides = array<i32>} : memref<256xi32, #tpu.memory_space<vmem>>, vector<16xi32>,
    %get3A_251 = vector.shape_cast %get3A_250 : vector<16xi32> to vector<16xi32>
    %bitcast_convert_type3A_252 = tpu.bitcast %get3A_251 : vector<16xi32> -> vector<16xf32>
    %get3A_253 = arith.constant 256 : index
    %get3A_254 = tpu.vector_load %arg7[%get3A_253] {strides = array<i32>} : memref<512xi32, #tpu.memory_space<vmem>>, vector<16xi32>,
    %get3A_255 = vector.shape_cast %get3A_254 : vector<16xi32> to vector<16xi32>
    %bitcast_convert_type3A_256 = tpu.bitcast %get3A_255 : vector<16xi32> -> vector<16xf32>
    %get3A_257 = arith.constant 272 : index
    %get3A_258 = tpu.vector_load %arg7[%get3A_257] {strides = array<i32>} : memref<512xi32, #tpu.memory_space<vmem>>, vector<16xi32>,
    %get3A_259 = vector.shape_cast %get3A_258 : vector<16xi32> to vector<16xi32>
    %bitcast_convert_type3A_260 = tpu.bitcast %get3A_259 : vector<16xi32> -> vector<16xf32>
    %get3A_261 = arith.constant 288 : index
    %get3A_262 = tpu.vector_load %arg7[%get3A_261] {strides = array<i32>} : memref<512xi32, #tpu.memory_space<vmem>>, vector<16xi32>,
    %get3A_263 = vector.shape_cast %get3A_262 : vector<16xi32> to vector<16xi32>
    %bitcast_convert_type3A_264 = tpu.bitcast %get3A_263 : vector<16xi32> -> vector<16xf32>
    %get3A_265 = arith.constant 304 : index
    %get3A_266 = tpu.vector_load %arg7[%get3A_265] {strides = array<i32>} : memref<512xi32, #tpu.memory_space<vmem>>, vector<16xi32>,
    %get3A_267 = vector.shape_cast %get3A_266 : vector<16xi32> to vector<16xi32>
    %bitcast_convert_type3A_268 = tpu.bitcast %get3A_267 : vector<16xi32> -> vector<16xf32>
    %get3A_269 = arith.constant 320 : index
    %get3A_270 = tpu.vector_load %arg7[%get3A_269] {strides = array<i32>} : memref<512xi32, #tpu.memory_space<vmem>>, vector<16xi32>,
    %get3A_271 = vector.shape_cast %get3A_270 : vector<16xi32> to vector<16xi32>
    %bitcast_convert_type3A_272 = tpu.bitcast %get3A_271 : vector<16xi32> -> vector<16xf32>
    %get3A_273 = arith.constant 336 : index
    %get3A_274 = tpu.vector_load %arg7[%get3A_273] {strides = array<i32>} : memref<512xi32, #tpu.memory_space<vmem>>, vector<16xi32>,
    %get3A_275 = vector.shape_cast %get3A_274 : vector<16xi32> to vector<16xi32>
    %bitcast_convert_type3A_276 = tpu.bitcast %get3A_275 : vector<16xi32> -> vector<16xf32>
    %get3A_277 = arith.constant 352 : index
    %get3A_278 = tpu.vector_load %arg7[%get3A_277] {strides = array<i32>} : memref<512xi32, #tpu.memory_space<vmem>>, vector<16xi32>,
    %get3A_279 = vector.shape_cast %get3A_278 : vector<16xi32> to vector<16xi32>
    %bitcast_convert_type3A_280 = tpu.bitcast %get3A_279 : vector<16xi32> -> vector<16xf32>
    %get3A_281 = arith.constant 368 : index
    %get3A_282 = tpu.vector_load %arg7[%get3A_281] {strides = array<i32>} : memref<512xi32, #tpu.memory_space<vmem>>, vector<16xi32>,
    %get3A_283 = vector.shape_cast %get3A_282 : vector<16xi32> to vector<16xi32>
    %bitcast_convert_type3A_284 = tpu.bitcast %get3A_283 : vector<16xi32> -> vector<16xf32>
    %get3A_285 = arith.constant 384 : index
    %get3A_286 = tpu.vector_load %arg7[%get3A_285] {strides = array<i32>} : memref<512xi32, #tpu.memory_space<vmem>>, vector<16xi32>,
    %get3A_287 = vector.shape_cast %get3A_286 : vector<16xi32> to vector<16xi32>
    %bitcast_convert_type3A_288 = tpu.bitcast %get3A_287 : vector<16xi32> -> vector<16xf32>
    %get3A_289 = arith.constant 400 : index
    %get3A_290 = tpu.vector_load %arg7[%get3A_289] {strides = array<i32>} : memref<512xi32, #tpu.memory_space<vmem>>, vector<16xi32>,
    %get3A_291 = vector.shape_cast %get3A_290 : vector<16xi32> to vector<16xi32>
    %bitcast_convert_type3A_292 = tpu.bitcast %get3A_291 : vector<16xi32> -> vector<16xf32>
    %get3A_293 = arith.constant 416 : index
    %get3A_294 = tpu.vector_load %arg7[%get3A_293] {strides = array<i32>} : memref<512xi32, #tpu.memory_space<vmem>>, vector<16xi32>,
    %get3A_295 = vector.shape_cast %get3A_294 : vector<16xi32> to vector<16xi32>
    %bitcast_convert_type3A_296 = tpu.bitcast %get3A_295 : vector<16xi32> -> vector<16xf32>
    %get3A_297 = arith.constant 432 : index
    %get3A_298 = tpu.vector_load %arg7[%get3A_297] {strides = array<i32>} : memref<512xi32, #tpu.memory_space<vmem>>, vector<16xi32>,
    %get3A_299 = vector.shape_cast %get3A_298 : vector<16xi32> to vector<16xi32>
    %bitcast_convert_type3A_300 = tpu.bitcast %get3A_299 : vector<16xi32> -> vector<16xf32>
    %get3A_301 = arith.constant 448 : index
    %get3A_302 = tpu.vector_load %arg7[%get3A_301] {strides = array<i32>} : memref<512xi32, #tpu.memory_space<vmem>>, vector<16xi32>,
    %get3A_303 = vector.shape_cast %get3A_302 : vector<16xi32> to vector<16xi32>
    %bitcast_convert_type3A_304 = tpu.bitcast %get3A_303 : vector<16xi32> -> vector<16xf32>
    %get3A_305 = arith.constant 464 : index
    %get3A_306 = tpu.vector_load %arg7[%get3A_305] {strides = array<i32>} : memref<512xi32, #tpu.memory_space<vmem>>, vector<16xi32>,
    %get3A_307 = vector.shape_cast %get3A_306 : vector<16xi32> to vector<16xi32>
    %bitcast_convert_type3A_308 = tpu.bitcast %get3A_307 : vector<16xi32> -> vector<16xf32>
    %get3A_309 = arith.constant 480 : index
    %get3A_310 = tpu.vector_load %arg7[%get3A_309] {strides = array<i32>} : memref<512xi32, #tpu.memory_space<vmem>>, vector<16xi32>,
    %get3A_311 = vector.shape_cast %get3A_310 : vector<16xi32> to vector<16xi32>
    %bitcast_convert_type3A_312 = tpu.bitcast %get3A_311 : vector<16xi32> -> vector<16xf32>
    %get3A_313 = arith.constant 496 : index
    %get3A_314 = tpu.vector_load %arg7[%get3A_313] {strides = array<i32>} : memref<512xi32, #tpu.memory_space<vmem>>, vector<16xi32>,
    %get3A_315 = vector.shape_cast %get3A_314 : vector<16xi32> to vector<16xi32>
    %bitcast_convert_type3A_316 = tpu.bitcast %get3A_315 : vector<16xi32> -> vector<16xf32>
    %scan3A_317 = arith.constant 0 : i32
    %scan3A_318 = arith.constant 128 : i32
    %scan3A_319 = arith.addi %scan3A_317, %scan3A_318 : i32
    %scan3A_320 = arith.constant 2 : i32
    %scan3A_321:16 = scf.for %scan3A_364 = %scan3A_317 to %scan3A_319 step %scan3A_320 iter_args(%scan3A_365 = %bitcast_convert_type3A_256, %scan3A_366 = %bitcast_convert_type3A_260, %scan3A_367 = %bitcast_convert_type3A_264, %scan3A_368 = %bitcast_convert_type3A_268, %scan3A_369 = %bitcast_convert_type3A_272, %scan3A_370 = %bitcast_convert_type3A_276, %scan3A_371 = %bitcast_convert_type3A_280, %scan3A_372 = %bitcast_convert_type3A_284, %scan3A_373 = %bitcast_convert_type3A_288, %scan3A_374 = %bitcast_convert_type3A_292, %scan3A_375 = %bitcast_convert_type3A_296, %scan3A_376 = %bitcast_convert_type3A_300, %scan3A_377 = %bitcast_convert_type3A_304, %scan3A_378 = %bitcast_convert_type3A_308, %scan3A_379 = %bitcast_convert_type3A_312, %scan3A_380 = %bitcast_convert_type3A_316) -> (vector<16xf32>, vector<16xf32>, vector<16xf32>, vector<16xf32>, vector<16xf32>, vector<16xf32>, vector<16xf32>, vector<16xf32>, vector<16xf32>, vector<16xf32>, vector<16xf32>, vector<16xf32>, vector<16xf32>, vector<16xf32>, vector<16xf32>, vector<16xf32>)  : i32 {
      %swap3A = arith.constant 1 : i32
      %swap3A_381 = arith.index_cast %swap3A : i32 to index
      %swap3A_382 = arith.index_cast %scan3A_364 : i32 to index
      %swap3A_383 = arith.constant 0 : index
      %swap3A_384 = tpu.vector_load %arg6[%swap3A_381, %swap3A_382, %swap3A_383] {strides = array<i32>} : memref<2x128x128xf32, #tpu.memory_space<vmem>>, vector<1x1x16xf32>,
      %swap3A_385 = vector.shape_cast %swap3A_384 : vector<1x1x16xf32> to vector<16xf32>
      %swap3A_386 = vector.shape_cast %scan3A_365 : vector<16xf32> to vector<1x1x16xf32>
      tpu.vector_store %arg6[%swap3A_381, %swap3A_382, %swap3A_383], %swap3A_386 {add = true, strides = array<i32>} : memref<2x128x128xf32, #tpu.memory_space<vmem>>, vector<1x1x16xf32>,
      %mul3A_387 = arith.mulf %scan3A_365, %bitcast_convert_type3A_192 : vector<16xf32>
      %mul3A_388 = arith.mulf %scan3A_373, %bitcast_convert_type3A_224 : vector<16xf32>
      %add3A_389 = arith.addf %mul3A_387, %mul3A_388 : vector<16xf32>
      %mul3A_390 = arith.mulf %scan3A_373, %bitcast_convert_type3A_192 : vector<16xf32>
      %mul3A_391 = arith.mulf %scan3A_365, %bitcast_convert_type3A_224 : vector<16xf32>
      %sub3A = arith.subf %mul3A_390, %mul3A_391 : vector<16xf32>
      %swap3A_392 = arith.constant 1 : i32
      %swap3A_393 = arith.index_cast %swap3A_392 : i32 to index
      %swap3A_394 = arith.index_cast %scan3A_364 : i32 to index
      %swap3A_395 = arith.constant 16 : index
      %swap3A_396 = tpu.vector_load %arg6[%swap3A_393, %swap3A_394, %swap3A_395] {strides = array<i32>} : memref<2x128x128xf32, #tpu.memory_space<vmem>>, vector<1x1x16xf32>,
      %swap3A_397 = vector.shape_cast %swap3A_396 : vector<1x1x16xf32> to vector<16xf32>
      %swap3A_398 = vector.shape_cast %scan3A_366 : vector<16xf32> to vector<1x1x16xf32>
      tpu.vector_store %arg6[%swap3A_393, %swap3A_394, %swap3A_395], %swap3A_398 {add = true, strides = array<i32>} : memref<2x128x128xf32, #tpu.memory_space<vmem>>, vector<1x1x16xf32>,
      %mul3A_399 = arith.mulf %scan3A_366, %bitcast_convert_type3A_196 : vector<16xf32>
      %mul3A_400 = arith.mulf %scan3A_374, %bitcast_convert_type3A_228 : vector<16xf32>
      %add3A_401 = arith.addf %mul3A_399, %mul3A_400 : vector<16xf32>
      %mul3A_402 = arith.mulf %scan3A_374, %bitcast_convert_type3A_196 : vector<16xf32>
      %mul3A_403 = arith.mulf %scan3A_366, %bitcast_convert_type3A_228 : vector<16xf32>
      %sub3A_404 = arith.subf %mul3A_402, %mul3A_403 : vector<16xf32>
      %swap3A_405 = arith.constant 1 : i32
      %swap3A_406 = arith.index_cast %swap3A_405 : i32 to index
      %swap3A_407 = arith.index_cast %scan3A_364 : i32 to index
      %swap3A_408 = arith.constant 32 : index
      %swap3A_409 = tpu.vector_load %arg6[%swap3A_406, %swap3A_407, %swap3A_408] {strides = array<i32>} : memref<2x128x128xf32, #tpu.memory_space<vmem>>, vector<1x1x16xf32>,
      %swap3A_410 = vector.shape_cast %swap3A_409 : vector<1x1x16xf32> to vector<16xf32>
      %swap3A_411 = vector.shape_cast %scan3A_367 : vector<16xf32> to vector<1x1x16xf32>
      tpu.vector_store %arg6[%swap3A_406, %swap3A_407, %swap3A_408], %swap3A_411 {add = true, strides = array<i32>} : memref<2x128x128xf32, #tpu.memory_space<vmem>>, vector<1x1x16xf32>,
      %mul3A_412 = arith.mulf %scan3A_367, %bitcast_convert_type3A_200 : vector<16xf32>
      %mul3A_413 = arith.mulf %scan3A_375, %bitcast_convert_type3A_232 : vector<16xf32>
      %add3A_414 = arith.addf %mul3A_412, %mul3A_413 : vector<16xf32>
      %mul3A_415 = arith.mulf %scan3A_375, %bitcast_convert_type3A_200 : vector<16xf32>
      %mul3A_416 = arith.mulf %scan3A_367, %bitcast_convert_type3A_232 : vector<16xf32>
      %sub3A_417 = arith.subf %mul3A_415, %mul3A_416 : vector<16xf32>
      %swap3A_418 = arith.constant 1 : i32
      %swap3A_419 = arith.index_cast %swap3A_418 : i32 to index
      %swap3A_420 = arith.index_cast %scan3A_364 : i32 to index
      %swap3A_421 = arith.constant 48 : index
      %swap3A_422 = tpu.vector_load %arg6[%swap3A_419, %swap3A_420, %swap3A_421] {strides = array<i32>} : memref<2x128x128xf32, #tpu.memory_space<vmem>>, vector<1x1x16xf32>,
      %swap3A_423 = vector.shape_cast %swap3A_422 : vector<1x1x16xf32> to vector<16xf32>
      %swap3A_424 = vector.shape_cast %scan3A_368 : vector<16xf32> to vector<1x1x16xf32>
      tpu.vector_store %arg6[%swap3A_419, %swap3A_420, %swap3A_421], %swap3A_424 {add = true, strides = array<i32>} : memref<2x128x128xf32, #tpu.memory_space<vmem>>, vector<1x1x16xf32>,
      %mul3A_425 = arith.mulf %scan3A_368, %bitcast_convert_type3A_204 : vector<16xf32>
      %mul3A_426 = arith.mulf %scan3A_376, %bitcast_convert_type3A_236 : vector<16xf32>
      %add3A_427 = arith.addf %mul3A_425, %mul3A_426 : vector<16xf32>
      %mul3A_428 = arith.mulf %scan3A_376, %bitcast_convert_type3A_204 : vector<16xf32>
      %mul3A_429 = arith.mulf %scan3A_368, %bitcast_convert_type3A_236 : vector<16xf32>
      %sub3A_430 = arith.subf %mul3A_428, %mul3A_429 : vector<16xf32>
      %swap3A_431 = arith.constant 1 : i32
      %swap3A_432 = arith.index_cast %swap3A_431 : i32 to index
      %swap3A_433 = arith.index_cast %scan3A_364 : i32 to index
      %swap3A_434 = arith.constant 64 : index
      %swap3A_435 = tpu.vector_load %arg6[%swap3A_432, %swap3A_433, %swap3A_434] {strides = array<i32>} : memref<2x128x128xf32, #tpu.memory_space<vmem>>, vector<1x1x16xf32>,
      %swap3A_436 = vector.shape_cast %swap3A_435 : vector<1x1x16xf32> to vector<16xf32>
      %swap3A_437 = vector.shape_cast %scan3A_369 : vector<16xf32> to vector<1x1x16xf32>
      tpu.vector_store %arg6[%swap3A_432, %swap3A_433, %swap3A_434], %swap3A_437 {add = true, strides = array<i32>} : memref<2x128x128xf32, #tpu.memory_space<vmem>>, vector<1x1x16xf32>,
      %mul3A_438 = arith.mulf %scan3A_369, %bitcast_convert_type3A_208 : vector<16xf32>
      %mul3A_439 = arith.mulf %scan3A_377, %bitcast_convert_type3A_240 : vector<16xf32>
      %add3A_440 = arith.addf %mul3A_438, %mul3A_439 : vector<16xf32>
      %mul3A_441 = arith.mulf %scan3A_377, %bitcast_convert_type3A_208 : vector<16xf32>
      %mul3A_442 = arith.mulf %scan3A_369, %bitcast_convert_type3A_240 : vector<16xf32>
      %sub3A_443 = arith.subf %mul3A_441, %mul3A_442 : vector<16xf32>
      %swap3A_444 = arith.constant 1 : i32
      %swap3A_445 = arith.index_cast %swap3A_444 : i32 to index
      %swap3A_446 = arith.index_cast %scan3A_364 : i32 to index
      %swap3A_447 = arith.constant 80 : index
      %swap3A_448 = tpu.vector_load %arg6[%swap3A_445, %swap3A_446, %swap3A_447] {strides = array<i32>} : memref<2x128x128xf32, #tpu.memory_space<vmem>>, vector<1x1x16xf32>,
      %swap3A_449 = vector.shape_cast %swap3A_448 : vector<1x1x16xf32> to vector<16xf32>
      %swap3A_450 = vector.shape_cast %scan3A_370 : vector<16xf32> to vector<1x1x16xf32>
      tpu.vector_store %arg6[%swap3A_445, %swap3A_446, %swap3A_447], %swap3A_450 {add = true, strides = array<i32>} : memref<2x128x128xf32, #tpu.memory_space<vmem>>, vector<1x1x16xf32>,
      %mul3A_451 = arith.mulf %scan3A_370, %bitcast_convert_type3A_212 : vector<16xf32>
      %mul3A_452 = arith.mulf %scan3A_378, %bitcast_convert_type3A_244 : vector<16xf32>
      %add3A_453 = arith.addf %mul3A_451, %mul3A_452 : vector<16xf32>
      %mul3A_454 = arith.mulf %scan3A_378, %bitcast_convert_type3A_212 : vector<16xf32>
      %mul3A_455 = arith.mulf %scan3A_370, %bitcast_convert_type3A_244 : vector<16xf32>
      %sub3A_456 = arith.subf %mul3A_454, %mul3A_455 : vector<16xf32>
      %swap3A_457 = arith.constant 1 : i32
      %swap3A_458 = arith.index_cast %swap3A_457 : i32 to index
      %swap3A_459 = arith.index_cast %scan3A_364 : i32 to index
      %swap3A_460 = arith.constant 96 : index
      %swap3A_461 = tpu.vector_load %arg6[%swap3A_458, %swap3A_459, %swap3A_460] {strides = array<i32>} : memref<2x128x128xf32, #tpu.memory_space<vmem>>, vector<1x1x16xf32>,
      %swap3A_462 = vector.shape_cast %swap3A_461 : vector<1x1x16xf32> to vector<16xf32>
      %swap3A_463 = vector.shape_cast %scan3A_371 : vector<16xf32> to vector<1x1x16xf32>
      tpu.vector_store %arg6[%swap3A_458, %swap3A_459, %swap3A_460], %swap3A_463 {add = true, strides = array<i32>} : memref<2x128x128xf32, #tpu.memory_space<vmem>>, vector<1x1x16xf32>,
      %mul3A_464 = arith.mulf %scan3A_371, %bitcast_convert_type3A_216 : vector<16xf32>
      %mul3A_465 = arith.mulf %scan3A_379, %bitcast_convert_type3A_248 : vector<16xf32>
      %add3A_466 = arith.addf %mul3A_464, %mul3A_465 : vector<16xf32>
      %mul3A_467 = arith.mulf %scan3A_379, %bitcast_convert_type3A_216 : vector<16xf32>
      %mul3A_468 = arith.mulf %scan3A_371, %bitcast_convert_type3A_248 : vector<16xf32>
      %sub3A_469 = arith.subf %mul3A_467, %mul3A_468 : vector<16xf32>
      %swap3A_470 = arith.constant 1 : i32
      %swap3A_471 = arith.index_cast %swap3A_470 : i32 to index
      %swap3A_472 = arith.index_cast %scan3A_364 : i32 to index
      %swap3A_473 = arith.constant 112 : index
      %swap3A_474 = tpu.vector_load %arg6[%swap3A_471, %swap3A_472, %swap3A_473] {strides = array<i32>} : memref<2x128x128xf32, #tpu.memory_space<vmem>>, vector<1x1x16xf32>,
      %swap3A_475 = vector.shape_cast %swap3A_474 : vector<1x1x16xf32> to vector<16xf32>
      %swap3A_476 = vector.shape_cast %scan3A_372 : vector<16xf32> to vector<1x1x16xf32>
      tpu.vector_store %arg6[%swap3A_471, %swap3A_472, %swap3A_473], %swap3A_476 {add = true, strides = array<i32>} : memref<2x128x128xf32, #tpu.memory_space<vmem>>, vector<1x1x16xf32>,
      %mul3A_477 = arith.mulf %scan3A_372, %bitcast_convert_type3A_220 : vector<16xf32>
      %mul3A_478 = arith.mulf %scan3A_380, %bitcast_convert_type3A_252 : vector<16xf32>
      %add3A_479 = arith.addf %mul3A_477, %mul3A_478 : vector<16xf32>
      %mul3A_480 = arith.mulf %scan3A_380, %bitcast_convert_type3A_220 : vector<16xf32>
      %mul3A_481 = arith.mulf %scan3A_372, %bitcast_convert_type3A_252 : vector<16xf32>
      %sub3A_482 = arith.subf %mul3A_480, %mul3A_481 : vector<16xf32>
      %scan3A_483 = arith.constant 1 : i32
      %scan3A_484 = arith.addi %scan3A_364, %scan3A_483 : i32
      %swap3A_485 = arith.constant 1 : i32
      %swap3A_486 = arith.index_cast %swap3A_485 : i32 to index
      %swap3A_487 = arith.index_cast %scan3A_484 : i32 to index
      %swap3A_488 = arith.constant 0 : index
      %swap3A_489 = tpu.vector_load %arg6[%swap3A_486, %swap3A_487, %swap3A_488] {strides = array<i32>} : memref<2x128x128xf32, #tpu.memory_space<vmem>>, vector<1x1x16xf32>,
      %swap3A_490 = vector.shape_cast %swap3A_489 : vector<1x1x16xf32> to vector<16xf32>
      %swap3A_491 = vector.shape_cast %add3A_389 : vector<16xf32> to vector<1x1x16xf32>
      tpu.vector_store %arg6[%swap3A_486, %swap3A_487, %swap3A_488], %swap3A_491 {add = true, strides = array<i32>} : memref<2x128x128xf32, #tpu.memory_space<vmem>>, vector<1x1x16xf32>,
      %mul3A_492 = arith.mulf %add3A_389, %bitcast_convert_type3A_192 : vector<16xf32>
      %mul3A_493 = arith.mulf %sub3A, %bitcast_convert_type3A_224 : vector<16xf32>
      %add3A_494 = arith.addf %mul3A_492, %mul3A_493 : vector<16xf32>
      %mul3A_495 = arith.mulf %sub3A, %bitcast_convert_type3A_192 : vector<16xf32>
      %mul3A_496 = arith.mulf %add3A_389, %bitcast_convert_type3A_224 : vector<16xf32>
      %sub3A_497 = arith.subf %mul3A_495, %mul3A_496 : vector<16xf32>
      %swap3A_498 = arith.constant 1 : i32
      %swap3A_499 = arith.index_cast %swap3A_498 : i32 to index
      %swap3A_500 = arith.index_cast %scan3A_484 : i32 to index
      %swap3A_501 = arith.constant 16 : index
      %swap3A_502 = tpu.vector_load %arg6[%swap3A_499, %swap3A_500, %swap3A_501] {strides = array<i32>} : memref<2x128x128xf32, #tpu.memory_space<vmem>>, vector<1x1x16xf32>,
      %swap3A_503 = vector.shape_cast %swap3A_502 : vector<1x1x16xf32> to vector<16xf32>
      %swap3A_504 = vector.shape_cast %add3A_401 : vector<16xf32> to vector<1x1x16xf32>
      tpu.vector_store %arg6[%swap3A_499, %swap3A_500, %swap3A_501], %swap3A_504 {add = true, strides = array<i32>} : memref<2x128x128xf32, #tpu.memory_space<vmem>>, vector<1x1x16xf32>,
      %mul3A_505 = arith.mulf %add3A_401, %bitcast_convert_type3A_196 : vector<16xf32>
      %mul3A_506 = arith.mulf %sub3A_404, %bitcast_convert_type3A_228 : vector<16xf32>
      %add3A_507 = arith.addf %mul3A_505, %mul3A_506 : vector<16xf32>
      %mul3A_508 = arith.mulf %sub3A_404, %bitcast_convert_type3A_196 : vector<16xf32>
      %mul3A_509 = arith.mulf %add3A_401, %bitcast_convert_type3A_228 : vector<16xf32>
      %sub3A_510 = arith.subf %mul3A_508, %mul3A_509 : vector<16xf32>
      %swap3A_511 = arith.constant 1 : i32
      %swap3A_512 = arith.index_cast %swap3A_511 : i32 to index
      %swap3A_513 = arith.index_cast %scan3A_484 : i32 to index
      %swap3A_514 = arith.constant 32 : index
      %swap3A_515 = tpu.vector_load %arg6[%swap3A_512, %swap3A_513, %swap3A_514] {strides = array<i32>} : memref<2x128x128xf32, #tpu.memory_space<vmem>>, vector<1x1x16xf32>,
      %swap3A_516 = vector.shape_cast %swap3A_515 : vector<1x1x16xf32> to vector<16xf32>
      %swap3A_517 = vector.shape_cast %add3A_414 : vector<16xf32> to vector<1x1x16xf32>
      tpu.vector_store %arg6[%swap3A_512, %swap3A_513, %swap3A_514], %swap3A_517 {add = true, strides = array<i32>} : memref<2x128x128xf32, #tpu.memory_space<vmem>>, vector<1x1x16xf32>,
      %mul3A_518 = arith.mulf %add3A_414, %bitcast_convert_type3A_200 : vector<16xf32>
      %mul3A_519 = arith.mulf %sub3A_417, %bitcast_convert_type3A_232 : vector<16xf32>
      %add3A_520 = arith.addf %mul3A_518, %mul3A_519 : vector<16xf32>
      %mul3A_521 = arith.mulf %sub3A_417, %bitcast_convert_type3A_200 : vector<16xf32>
      %mul3A_522 = arith.mulf %add3A_414, %bitcast_convert_type3A_232 : vector<16xf32>
      %sub3A_523 = arith.subf %mul3A_521, %mul3A_522 : vector<16xf32>
      %swap3A_524 = arith.constant 1 : i32
      %swap3A_525 = arith.index_cast %swap3A_524 : i32 to index
      %swap3A_526 = arith.index_cast %scan3A_484 : i32 to index
      %swap3A_527 = arith.constant 48 : index
      %swap3A_528 = tpu.vector_load %arg6[%swap3A_525, %swap3A_526, %swap3A_527] {strides = array<i32>} : memref<2x128x128xf32, #tpu.memory_space<vmem>>, vector<1x1x16xf32>,
      %swap3A_529 = vector.shape_cast %swap3A_528 : vector<1x1x16xf32> to vector<16xf32>
      %swap3A_530 = vector.shape_cast %add3A_427 : vector<16xf32> to vector<1x1x16xf32>
      tpu.vector_store %arg6[%swap3A_525, %swap3A_526, %swap3A_527], %swap3A_530 {add = true, strides = array<i32>} : memref<2x128x128xf32, #tpu.memory_space<vmem>>, vector<1x1x16xf32>,
      %mul3A_531 = arith.mulf %add3A_427, %bitcast_convert_type3A_204 : vector<16xf32>
      %mul3A_532 = arith.mulf %sub3A_430, %bitcast_convert_type3A_236 : vector<16xf32>
      %add3A_533 = arith.addf %mul3A_531, %mul3A_532 : vector<16xf32>
      %mul3A_534 = arith.mulf %sub3A_430, %bitcast_convert_type3A_204 : vector<16xf32>
      %mul3A_535 = arith.mulf %add3A_427, %bitcast_convert_type3A_236 : vector<16xf32>
      %sub3A_536 = arith.subf %mul3A_534, %mul3A_535 : vector<16xf32>
      %swap3A_537 = arith.constant 1 : i32
      %swap3A_538 = arith.index_cast %swap3A_537 : i32 to index
      %swap3A_539 = arith.index_cast %scan3A_484 : i32 to index
      %swap3A_540 = arith.constant 64 : index
      %swap3A_541 = tpu.vector_load %arg6[%swap3A_538, %swap3A_539, %swap3A_540] {strides = array<i32>} : memref<2x128x128xf32, #tpu.memory_space<vmem>>, vector<1x1x16xf32>,
      %swap3A_542 = vector.shape_cast %swap3A_541 : vector<1x1x16xf32> to vector<16xf32>
      %swap3A_543 = vector.shape_cast %add3A_440 : vector<16xf32> to vector<1x1x16xf32>
      tpu.vector_store %arg6[%swap3A_538, %swap3A_539, %swap3A_540], %swap3A_543 {add = true, strides = array<i32>} : memref<2x128x128xf32, #tpu.memory_space<vmem>>, vector<1x1x16xf32>,
      %mul3A_544 = arith.mulf %add3A_440, %bitcast_convert_type3A_208 : vector<16xf32>
      %mul3A_545 = arith.mulf %sub3A_443, %bitcast_convert_type3A_240 : vector<16xf32>
      %add3A_546 = arith.addf %mul3A_544, %mul3A_545 : vector<16xf32>
      %mul3A_547 = arith.mulf %sub3A_443, %bitcast_convert_type3A_208 : vector<16xf32>
      %mul3A_548 = arith.mulf %add3A_440, %bitcast_convert_type3A_240 : vector<16xf32>
      %sub3A_549 = arith.subf %mul3A_547, %mul3A_548 : vector<16xf32>
      %swap3A_550 = arith.constant 1 : i32
      %swap3A_551 = arith.index_cast %swap3A_550 : i32 to index
      %swap3A_552 = arith.index_cast %scan3A_484 : i32 to index
      %swap3A_553 = arith.constant 80 : index
      %swap3A_554 = tpu.vector_load %arg6[%swap3A_551, %swap3A_552, %swap3A_553] {strides = array<i32>} : memref<2x128x128xf32, #tpu.memory_space<vmem>>, vector<1x1x16xf32>,
      %swap3A_555 = vector.shape_cast %swap3A_554 : vector<1x1x16xf32> to vector<16xf32>
      %swap3A_556 = vector.shape_cast %add3A_453 : vector<16xf32> to vector<1x1x16xf32>
      tpu.vector_store %arg6[%swap3A_551, %swap3A_552, %swap3A_553], %swap3A_556 {add = true, strides = array<i32>} : memref<2x128x128xf32, #tpu.memory_space<vmem>>, vector<1x1x16xf32>,
      %mul3A_557 = arith.mulf %add3A_453, %bitcast_convert_type3A_212 : vector<16xf32>
      %mul3A_558 = arith.mulf %sub3A_456, %bitcast_convert_type3A_244 : vector<16xf32>
      %add3A_559 = arith.addf %mul3A_557, %mul3A_558 : vector<16xf32>
      %mul3A_560 = arith.mulf %sub3A_456, %bitcast_convert_type3A_212 : vector<16xf32>
      %mul3A_561 = arith.mulf %add3A_453, %bitcast_convert_type3A_244 : vector<16xf32>
      %sub3A_562 = arith.subf %mul3A_560, %mul3A_561 : vector<16xf32>
      %swap3A_563 = arith.constant 1 : i32
      %swap3A_564 = arith.index_cast %swap3A_563 : i32 to index
      %swap3A_565 = arith.index_cast %scan3A_484 : i32 to index
      %swap3A_566 = arith.constant 96 : index
      %swap3A_567 = tpu.vector_load %arg6[%swap3A_564, %swap3A_565, %swap3A_566] {strides = array<i32>} : memref<2x128x128xf32, #tpu.memory_space<vmem>>, vector<1x1x16xf32>,
      %swap3A_568 = vector.shape_cast %swap3A_567 : vector<1x1x16xf32> to vector<16xf32>
      %swap3A_569 = vector.shape_cast %add3A_466 : vector<16xf32> to vector<1x1x16xf32>
      tpu.vector_store %arg6[%swap3A_564, %swap3A_565, %swap3A_566], %swap3A_569 {add = true, strides = array<i32>} : memref<2x128x128xf32, #tpu.memory_space<vmem>>, vector<1x1x16xf32>,
      %mul3A_570 = arith.mulf %add3A_466, %bitcast_convert_type3A_216 : vector<16xf32>
      %mul3A_571 = arith.mulf %sub3A_469, %bitcast_convert_type3A_248 : vector<16xf32>
      %add3A_572 = arith.addf %mul3A_570, %mul3A_571 : vector<16xf32>
      %mul3A_573 = arith.mulf %sub3A_469, %bitcast_convert_type3A_216 : vector<16xf32>
      %mul3A_574 = arith.mulf %add3A_466, %bitcast_convert_type3A_248 : vector<16xf32>
      %sub3A_575 = arith.subf %mul3A_573, %mul3A_574 : vector<16xf32>
      %swap3A_576 = arith.constant 1 : i32
      %swap3A_577 = arith.index_cast %swap3A_576 : i32 to index
      %swap3A_578 = arith.index_cast %scan3A_484 : i32 to index
      %swap3A_579 = arith.constant 112 : index
      %swap3A_580 = tpu.vector_load %arg6[%swap3A_577, %swap3A_578, %swap3A_579] {strides = array<i32>} : memref<2x128x128xf32, #tpu.memory_space<vmem>>, vector<1x1x16xf32>,
      %swap3A_581 = vector.shape_cast %swap3A_580 : vector<1x1x16xf32> to vector<16xf32>
      %swap3A_582 = vector.shape_cast %add3A_479 : vector<16xf32> to vector<1x1x16xf32>
      tpu.vector_store %arg6[%swap3A_577, %swap3A_578, %swap3A_579], %swap3A_582 {add = true, strides = array<i32>} : memref<2x128x128xf32, #tpu.memory_space<vmem>>, vector<1x1x16xf32>,
      %mul3A_583 = arith.mulf %add3A_479, %bitcast_convert_type3A_220 : vector<16xf32>
      %mul3A_584 = arith.mulf %sub3A_482, %bitcast_convert_type3A_252 : vector<16xf32>
      %add3A_585 = arith.addf %mul3A_583, %mul3A_584 : vector<16xf32>
      %mul3A_586 = arith.mulf %sub3A_482, %bitcast_convert_type3A_220 : vector<16xf32>
      %mul3A_587 = arith.mulf %add3A_479, %bitcast_convert_type3A_252 : vector<16xf32>
      %sub3A_588 = arith.subf %mul3A_586, %mul3A_587 : vector<16xf32>
      scf.yield %add3A_494, %add3A_507, %add3A_520, %add3A_533, %add3A_546, %add3A_559, %add3A_572, %add3A_585, %sub3A_497, %sub3A_510, %sub3A_523, %sub3A_536, %sub3A_549, %sub3A_562, %sub3A_575, %sub3A_588 : vector<16xf32>, vector<16xf32>, vector<16xf32>, vector<16xf32>, vector<16xf32>, vector<16xf32>, vector<16xf32>, vector<16xf32>, vector<16xf32>, vector<16xf32>, vector<16xf32>, vector<16xf32>, vector<16xf32>, vector<16xf32>, vector<16xf32>, vector<16xf32>
    }
    %scan3A_322 = arith.constant 128 : i32
    %add3A_323 = arith.constant 128 : i32
    %add3A_324 = arith.addi %mul3A_2, %add3A_323 : i32
    %dma_start3A_325 = arith.constant 1 : i32
    %dma_start3A_326 = arith.constant 0 : i32
    %dma_start3A_327 = arith.constant 0 : i32
    %dma_start3A_328 = tpu.memref_slice %arg6[%dma_start3A_325, %dma_start3A_326, %dma_start3A_327] : memref<2x128x128xf32, #tpu.memory_space<vmem>> -> memref<1x128x128xf32, #tpu.memory_space<vmem>>
    %dma_start3A_329 = tpu.memref_squeeze %dma_start3A_328 : memref<1x128x128xf32, #tpu.memory_space<vmem>> -> memref<128x128xf32, #tpu.memory_space<vmem>>
    %dma_start3A_330 = arith.constant 0 : i32
    %dma_start3A_331 = tpu.memref_slice %arg4[%add3A_324, %dma_start3A_330] : memref<8192x128xf32, #tpu.memory_space<hbm>> -> memref<128x128xf32, #tpu.memory_space<hbm>>
    %dma_start3A_332 = arith.constant 0 : i32
    %dma_start3A_333 = tpu.memref_slice %arg4[%add3A_324, %dma_start3A_332] : memref<8192x128xf32, #tpu.memory_space<hbm>> -> memref<128x128xf32, #tpu.memory_space<hbm>>
    %dma_start3A_334 = arith.constant 0 : i32
    %dma_start3A_335 = arith.constant 0 : i32
    %dma_start3A_336 = tpu.memref_slice %arg6[%dma_start3A_325, %dma_start3A_334, %dma_start3A_335] : memref<2x128x128xf32, #tpu.memory_space<vmem>> -> memref<1x128x128xf32, #tpu.memory_space<vmem>>
    %dma_start3A_337 = tpu.memref_squeeze %dma_start3A_336 : memref<1x128x128xf32, #tpu.memory_space<vmem>> -> memref<128x128xf32, #tpu.memory_space<vmem>>
    tpu.enqueue_dma source(%dma_start3A_337 : memref<128x128xf32, #tpu.memory_space<vmem>>) target(%dma_start3A_333 : memref<128x128xf32, #tpu.memory_space<hbm>>) target_semaphore(%arg11 : memref<!tpu.dma_semaphore, #tpu.memory_space<semaphore_mem>>)
    %dma_wait3A_338 = arith.constant 0 : i32
    %dma_wait3A_339 = arith.constant 0 : i32
    %dma_wait3A_340 = arith.constant 0 : i32
    %dma_wait3A_341 = tpu.memref_slice %arg6[%dma_wait3A_338, %dma_wait3A_339, %dma_wait3A_340] : memref<2x128x128xf32, #tpu.memory_space<vmem>> -> memref<1x128x128xf32, #tpu.memory_space<vmem>>
    %dma_wait3A_342 = tpu.memref_squeeze %dma_wait3A_341 : memref<1x128x128xf32, #tpu.memory_space<vmem>> -> memref<128x128xf32, #tpu.memory_space<vmem>>
    %dma_wait3A_343 = arith.constant 0 : i32
    %dma_wait3A_344 = tpu.memref_slice %arg4[%mul3A_2, %dma_wait3A_343] : memref<8192x128xf32, #tpu.memory_space<hbm>> -> memref<128x128xf32, #tpu.memory_space<hbm>>
    %dma_wait3A_345 = arith.constant 0 : i32
    %dma_wait3A_346 = tpu.memref_slice %arg4[%mul3A_2, %dma_wait3A_345] : memref<8192x128xf32, #tpu.memory_space<hbm>> -> memref<128x128xf32, #tpu.memory_space<hbm>>
    %dma_wait3A_347 = arith.constant 0 : i32
    %dma_wait3A_348 = arith.constant 0 : i32
    %dma_wait3A_349 = tpu.memref_slice %arg6[%dma_wait3A_338, %dma_wait3A_347, %dma_wait3A_348] : memref<2x128x128xf32, #tpu.memory_space<vmem>> -> memref<1x128x128xf32, #tpu.memory_space<vmem>>
    %dma_wait3A_350 = tpu.memref_squeeze %dma_wait3A_349 : memref<1x128x128xf32, #tpu.memory_space<vmem>> -> memref<128x128xf32, #tpu.memory_space<vmem>>
    tpu.wait_dma2 semaphore(%arg11 : memref<!tpu.dma_semaphore, #tpu.memory_space<semaphore_mem>>) src(%dma_wait3A_350 : memref<128x128xf32, #tpu.memory_space<vmem>>) dst(%dma_wait3A_346 : memref<128x128xf32, #tpu.memory_space<hbm>>)
    %dma_wait3A_351 = arith.constant 1 : i32
    %dma_wait3A_352 = arith.constant 0 : i32
    %dma_wait3A_353 = arith.constant 0 : i32
    %dma_wait3A_354 = tpu.memref_slice %arg6[%dma_wait3A_351, %dma_wait3A_352, %dma_wait3A_353] : memref<2x128x128xf32, #tpu.memory_space<vmem>> -> memref<1x128x128xf32, #tpu.memory_space<vmem>>
    %dma_wait3A_355 = tpu.memref_squeeze %dma_wait3A_354 : memref<1x128x128xf32, #tpu.memory_space<vmem>> -> memref<128x128xf32, #tpu.memory_space<vmem>>
    %dma_wait3A_356 = arith.constant 0 : i32
    %dma_wait3A_357 = tpu.memref_slice %arg4[%add3A_324, %dma_wait3A_356] : memref<8192x128xf32, #tpu.memory_space<hbm>> -> memref<128x128xf32, #tpu.memory_space<hbm>>
    %dma_wait3A_358 = arith.constant 0 : i32
    %dma_wait3A_359 = tpu.memref_slice %arg4[%add3A_324, %dma_wait3A_358] : memref<8192x128xf32, #tpu.memory_space<hbm>> -> memref<128x128xf32, #tpu.memory_space<hbm>>
    %dma_wait3A_360 = arith.constant 0 : i32
    %dma_wait3A_361 = arith.constant 0 : i32
    %dma_wait3A_362 = tpu.memref_slice %arg6[%dma_wait3A_351, %dma_wait3A_360, %dma_wait3A_361] : memref<2x128x128xf32, #tpu.memory_space<vmem>> -> memref<1x128x128xf32, #tpu.memory_space<vmem>>
    %dma_wait3A_363 = tpu.memref_squeeze %dma_wait3A_362 : memref<1x128x128xf32, #tpu.memory_space<vmem>> -> memref<128x128xf32, #tpu.memory_space<vmem>>
    tpu.wait_dma2 semaphore(%arg11 : memref<!tpu.dma_semaphore, #tpu.memory_space<semaphore_mem>>) src(%dma_wait3A_363 : memref<128x128xf32, #tpu.memory_space<vmem>>) dst(%dma_wait3A_359 : memref<128x128xf32, #tpu.memory_space<hbm>>)
    return
  }
}

</mosaic_0001>

<sc_bundles>
// kernel: kernel.3.cloned.1.call-start
scs
__scs_entry_jumppad:
0x0: {  	(pc) =	sbr.rel $0x88, $3  }
0x1: {  	(tag) =	ssettag $0x0;
	lr =	simm.s32 $0x1  }
0x2: {  	[smem:$0x3F9F] =	sst lr;
	_ =	strace $0xD0000000  }
0x3: {  	_ = 	snop  }
0x4: {  	_ = 	snop  }
0x5: {  	_ = 	snop  }
0x6: {  	_ = 	snop  }
0x7: {  	_ = 	snop  }
__scs_overlays_trampoline_lowered:
0x8: {  	[smem:$0x3FAE] =	sst s0  }
0x9: {  	[smem:$0x3FAF] =	sst s1  }
0xa: {  	[smem:$0x3FB0] =	sst s2  }
0xb: {  	[smem:$0x3FB1] =	sst s3  }
0xc: {  	[smem:$0x3FB2] =	sst s4  }
0xd: {  	[smem:$0x3FB3] =	sst s5  }
0xe: {  	[smem:$0x3FB4] =	sst s6  }
0xf: {  	[smem:$0x3FB5] =	sst s7  }
0x10: {  	[smem:$0x3FB6] =	sst s8  }
0x11: {  	[smem:$0x3FB7] =	sst s9;
	s0 =	simm.s32 @!p0 $0x0  }
0x12: {  	s1 =	sld [smem:$0x3F9D];
	s0 =	simm.s32 @p0 $0x1  }
0x13: {  	[smem:$0x3FB8] =	sst s0;
	s0 =	simm.s32 @!p1 $0x0  }
0x14: {  	s2 =	sld [smem:$0x3F9C];
	s0 =	simm.s32 @p1 $0x1  }
0x15: {  	[smem:$0x3FB9] =	sst s0;
	s0 =	simm.s32 @!p2 $0x0  }
0x16: {  	s3 =	sld [smem:$0x3FDB];
	s0 =	simm.s32 @p2 $0x1  }
0x17: {  	s4 =	simm.s32 $0x1BF5;
	[smem:$0x3FBB] =	sst s0  }
0x18: {  	s0 =	sld [smem:$0x3F9E];
	_ =	swait.ge [sflag:s4], $0x0  }
0x19: {  	s7 =	sld [smem:$0x3F9F]  }
0x1a: {  	s8 =	sadd.s32 $0xFFFFE003, lr  }
0x1b: {  	s9 =	sadd.s32 $0xFFFFFEF7, lr;
	s5 =	simm.s32 $0xFFFFFFFF;
	p2 =	slt.u32 s8, $0xFFFFF086  }
0x1c: {  	p1 =	slt.u32 s9, $0xF7A;
	s5 =	simm.s32 @!p2 $0x0  }
0x1d: {  	s5 =	simm.s32 @p1 $0x1;
	p0 =	seq.s32 s7, s2  }
0x1e: {  	s7 =	smul.u32 @!p0 $0xF7A, s2;
	p2 =	seq.s32 @!p0 s5, $0x0  }
0x1f: {  	s9 =	smul.u32 $0xF7A, s1;
	s8 =	simm.s32 @!p0 $0x1BF5;
	p2 =	por !p2, p0  }
0x20: {  	[sflag:s8] =	ssyncset.s32 @!p0 $0xFFFFF086;
	s6 =	sadd.s32 @!p0 s3, s7;
	s7 =	simm.s32 @!p0 $0x108  }
0x21: {  	s3 =	sadd.s32 s3, s9;
	s6 =	sadd.s32 @!p0 $0x88, s6;
	s7 =	simm.s32 @p2 $0x1082  }
0x22: {  	[simem:s7], [sflag:s8] =	dma.local @!p0 [hbm:s6], $0xF7A  }
0x23: {  	s9 =	sor.u32 $0xD0000000, s2;
	s6 =	simm.s32 $0x108;
	_ =	swait.ge @!p0 [sflag:s8], $0x0  }
0x24: {  	s3 =	sadd.s32 $0x88, s3;
	s6 =	simm.s32 @!p1 $0x1082;
	[sflag:s4] =	ssyncset.s32 $0xFFFFF086  }
0x25: {  	[simem:s6], [sflag:s4] =	dma.local [hbm:s3], $0xF7A  }
0x26: {  	[smem:$0x3F9F] =	sst s1;
	(tag) =	ssettag s2;
	_ =	strace s9  }
0x27: {  	s1 =	sld [smem:$0x3FAF]  }
0x28: {  	s2 =	sld [smem:$0x3FB0]  }
0x29: {  	s4 =	sld [smem:$0x3FB2]  }
0x2a: {  	p0 =	seq.s32 s5, $0x0;
	s5 =	sld [smem:$0x3FB3]  }
0x2b: {  	s6 =	sld [smem:$0x3FB4]  }
0x2c: {  	s7 =	sld [smem:$0x3FB5]  }
0x2d: {  	s3 =	simm.s32 $0x108;
	s8 =	sld [smem:$0x3FB6]  }
0x2e: {  	s3 =	simm.s32 @!p0 $0x1082;
	s9 =	sld [smem:$0x3FB7]  }
0x2f: {  	lr =	sadd.s32 s0, s3;
	s0 =	sld [smem:$0x3FAE]  }
0x30: {  	s3 =	sld [smem:$0x3FB1]  }
0x31: {  	[smem:$0x3FBA] =	sst s10  }
0x32: {  	s10 =	sld [smem:$0x3FB8];
	_ =	sdelay $0x3  }
0x33: {  	p0 =	seq.s32 s10, $0x1;
	s10 =	sld [smem:$0x3FBA];
	_ =	sdelay $0x3  }
0x34: {  	[smem:$0x3FBA] =	sst s10  }
0x35: {  	s10 =	sld [smem:$0x3FB9];
	_ =	sdelay $0x3  }
0x36: {  	p1 =	seq.s32 s10, $0x1;
	s10 =	sld [smem:$0x3FBA];
	_ =	sdelay $0x3  }
0x37: {  	[smem:$0x3FBA] =	sst s10  }
0x38: {  	s10 =	sld [smem:$0x3FBB]  }
0x39: {  	_ = 	snop;
	(pc) =	sbr.ind lr, $3  }
0x3a: {  	_ = 	snop  }
0x3b: {  	_ = 	snop  }
0x3c: {  	p2 =	seq.s32 s10, $0x1;
	s10 =	sld [smem:$0x3FBA]  }
0x3d: {  	_ =	shalt  }
0x3e: {  	_ =	shalt  }
0x3f: {  	_ =	shalt  }
0x40: {  	_ =	shalt  }
0x41: {  	_ =	shalt  }
0x42: {  	_ =	shalt  }
0x43: {  	_ =	shalt  }
0x44: {  	_ =	shalt  }
0x45: {  	_ =	shalt  }
0x46: {  	_ =	shalt  }
0x47: {  	_ =	shalt  }
0x48: {  	_ =	shalt  }
0x49: {  	_ =	shalt  }
0x4a: {  	_ =	shalt  }
0x4b: {  	_ =	shalt  }
0x4c: {  	_ =	shalt  }
0x4d: {  	_ =	shalt  }
0x4e: {  	_ =	shalt  }
0x4f: {  	_ =	shalt  }
0x50: {  	_ =	shalt  }
0x51: {  	_ =	shalt  }
0x52: {  	_ =	shalt  }
0x53: {  	_ =	shalt  }
0x54: {  	_ =	shalt  }
0x55: {  	_ =	shalt  }
0x56: {  	_ =	shalt  }
0x57: {  	_ =	shalt  }
0x58: {  	_ =	shalt  }
0x59: {  	_ =	shalt  }
0x5a: {  	_ =	shalt  }
0x5b: {  	_ =	shalt  }
0x5c: {  	_ =	shalt  }
0x5d: {  	_ =	shalt  }
0x5e: {  	_ =	shalt  }
0x5f: {  	_ =	shalt  }
0x60: {  	_ =	shalt  }
0x61: {  	_ =	shalt  }
0x62: {  	_ =	shalt  }
0x63: {  	_ =	shalt  }
0x64: {  	_ =	shalt  }
0x65: {  	_ =	shalt  }
0x66: {  	_ =	shalt  }
0x67: {  	_ =	shalt  }
0x68: {  	_ =	shalt  }
0x69: {  	_ =	shalt  }
0x6a: {  	_ =	shalt  }
0x6b: {  	_ =	shalt  }
0x6c: {  	_ =	shalt  }
0x6d: {  	_ =	shalt  }
0x6e: {  	_ =	shalt  }
0x6f: {  	_ =	shalt  }
0x70: {  	_ =	shalt  }
0x71: {  	_ =	shalt  }
0x72: {  	_ =	shalt  }
0x73: {  	_ =	shalt  }
0x74: {  	_ =	shalt  }
0x75: {  	_ =	shalt  }
0x76: {  	_ =	shalt  }
0x77: {  	_ =	shalt  }
0x78: {  	_ =	shalt  }
0x79: {  	_ =	shalt  }
0x7a: {  	_ =	shalt  }
0x7b: {  	_ =	shalt  }
0x7c: {  	_ =	shalt  }
0x7d: {  	_ =	shalt  }
0x7e: {  	_ =	shalt  }
0x7f: {  	_ =	shalt  }
0x80: {  	_ =	shalt  }
0x81: {  	_ =	shalt  }
0x82: {  	_ =	shalt  }
0x83: {  	_ =	shalt  }
0x84: {  	_ =	shalt  }
0x85: {  	_ =	shalt  }
0x86: {  	_ =	shalt  }
0x87: {  	_ =	shalt  }
.Lfunc_end0:
.L_simem_size_0:
called_computation_lowered:
.L_overlay_start_0:
0x88: {  	s2 =	sld [smem:$0x3FD9]  }
0x89: {  	s3 =	sld [smem:$0x3FFE];
	_ =	sdelay $0x1  }
0x8a: {  	s1 =	srdreg.scid  }
0x8b: {  	s0 =	sand.u32 $0x1, s1  }
0x8c: {  	s17 =	sshll.u32 s0, $0xA;
	s2 =	sadd.s32 s3, s2  }
0x8d: {  	s2 =	sadd.s32 s2, s17  }
0x8e: {  	[smem:$0x3FC6] =	sst s2  }
0x8f: {  	_ = 	snop  }
0x90: {  	s2 =	sld [smem:$0x3FC8]  }
0x91: {  	s18 =	sld [smem:$0x3FD0];
	(tm) =	ssettm $0x1  }
0x92: {  	s4 =	sld [smem:$0x3FFB];
	_ =	sdelay $0x3  }
0x93: {  	_ =	strace s4  }
0x94: {  	s4 =	sld [smem:$0x3FFC];
	_ =	sdelay $0x3  }
0x95: {  	_ =	strace s4  }
0x96: {  	s4 =	sld [smem:$0x3FFD];
	_ =	sdelay $0x3  }
0x97: {  	_ =	strace s4  }
0x98: {  	_ =	strace $0x8FFFFFFF  }
0x99: {  	s19 =	sld [smem:$0x3FDB];
	_ =	sdelay $0x1  }
0x9a: {  	s5 =	simm.s32 $_scs_section_size  }
0x9b: {  	s6 =	simm.s32 $_size__tile_overlayer_lowered;
	s7 =	simm.s32 $_tile_overlayer_lowered  }
0x9c: {  	s22 =	simm.s32 $0x1BFF;
	s21 =	sshll.u32 s7, $0x1;
	s4 =	sadd.s32 s5, s19  }
0x9d: {  	s8 =	simm.s32 $0x0;
	s20 =	sshll.u32 s6, $0x1;
	s6 =	sadd.s32 s21, s4  }
0x9e: {  	[timem:s8], [sflag:s22] =	dma.local [hbm:s6], s20  }
0x9f: {  	_ =	swait.ge [sflag:s22], s20  }
0xa0: {  	s5 =	ssub.s32 $0x0, s20;
	[sflag:s22] =	ssyncset.done $0x0  }
0xa1: {  	[sflag:s22] =	ssyncadd.s32 s5;
	_ =	sdelay $0x1  }
0xa2: {  	s23 =	simm.s32 $0x1B8B  }
0xa3: {  	_ =	swait.ge [sflag:s23], $0x1  }
0xa4: {  	[sflag:s23] =	ssyncset.done $0x0  }
0xa5: {  	s25 =	simm.s32 $0x1B8E;
	s24 =	sld [smem:$0x3FFE];
	[sflag:s23] =	ssyncadd.s32 $0xFFFFFFFF  }
0xa6: {  	s26 =	simm.s32 $execute0_lowered;
	[smem:$0x3FD2] =	sst s25  }
0xa7: {  	s6 =	sshll.u32 s26, $0x1;
	_ =	strace $0x80000046;
	[dreg:$0x1] =	wrdreg $0xFFFFFFFF  }
0xa8: {  	s28 =	simm.s32 $_size_execute0_lowered;
	s4 =	sadd.s32 s4, s6;
	[dreg:$0x0] =	wrdreg $0x0  }
0xa9: {  	s6 =	sshll.u32 s28, $0x1;
	[dreg:$0x2] =	wrdreg s4  }
0xaa: {  	[dreg:$0x3] =	wrdreg s6  }
0xab: {  	[dreg:$0x4] =	wrdreg $0xC0  }
0xac: {  	_ =	task [dreg:s8], $0x5FFFF  }
0xad: {  	[dreg:$0x1] =	wrdreg $0xFFFFFFFF  }
0xae: {  	[dreg:$0x0] =	wrdreg $0x60  }
0xaf: {  	[dreg:$0x2] =	wrdreg s2  }
0xb0: {  	[dreg:$0x3] =	wrdreg s24  }
0xb1: {  	[dreg:$0x4] =	wrdreg s18  }
0xb2: {  	[dreg:$0x5] =	wrdreg $0x9  }
0xb3: {  	_ =	task.clear_ibuf [dreg:s8], $0x6FFFF;
	_ =	strace $0x90000046  }
0xb4: {  	s29 =	simm.s32 $0x9;
	_ =	strace $0x80000048  }
0xb5: {  	_ =	swait.ge [sflag:s29], $0x1  }
0xb6: {  	[sflag:s29] =	ssyncadd.s32 $0xFFFFFFFF  }
0xb7: {  	_ =	strace $0x90000048  }
0xb8: {  	_ =	sfence  }
0xb9: {  	s30 =	sld [smem:$0x0];
	_ =	sdelay $0x2  }
0xba: {  	s31 =	sshll.u32 s1, $0xD;
	s1 =	sshrl.u32 s1, $0x2  }
0xbb: {  	s3 =	sand.u32 $0x4000, s31;
	s1 =	sadd.s32 s1, s30  }
0xbc: {  	s0 =	sor.u32 s3, s0;
	s1 =	sshll.u32 s1, $0x11  }
0xbd: {  	s0 =	sor.u32 s1, s0  }
0xbe: {  	s0 =	sadd.s32 $0x8F2B, s0  }
0xbf: {  	[sflag:s0] =	ssyncadd.remote.s32 $0x1  }
0xc0: {  	_ =	sfence.sel $0xFFFF  }
0xc1: {  	[dreg:$0x0] =	wrdreg $0xFFFFFFFF;
	(pc) =	sbr.abs _section_cstart, $3  }
0xc2: {  	[dreg:$0x1] =	wrdreg $0xFFFFFFFF  }
0xc3: {  	_ =	task.clear_ibuf [dreg:s8], $0x2FFFF;
	_ =	strace $0x9FFFFFFF  }
0xc4: {  	(tm) =	ssettm $0x7FFFFFFF  }
0xc5: {  	_ =	shalt  }
tec
execute0_lowered:
.L_overlay_start_1:
0x0: {  	(tag) =	ssettag $0x1  }
0x1: {  	s1 =	rddreg [dreg:$0x0]  }
0x2: {  	s6 =	rddreg [dreg:$0x1]  }
0x3: {  	s7 =	rddreg [dreg:$0x2]  }
0x4: {  	s0 =	rddreg [dreg:$0x3];
	s3 =	simm.s32 $0x0;
	s4 =	srdreg.scid  }
0x5: {  	s2 =	stileid.u32;
	s11 =	simm.s32 $0x80;
	s12 =	simm.s32 $0x4100  }
0x6: {  	s13 =	simm.s32 $0x8100;
	s14 =	simm.s32 $0x8300;
	s15 =	simm.s32 $0x1  }
0x7: {  	s16 =	simm.s32 $0x100;
	s17 =	simm.s32 $0x2;
	s18 =	simm.s32 $0x3  }
0x8: {  	s19 =	simm.s32 $0x0;
	[smem:$0x7FF] =	sst s3;
	s4 =	sand.u32 $0x1, s4  }
0x9: {  	s8 =	sshll.u32 s2, $0x1;
	s9 =	sadd.s32 $0x400, s6;
	s6 =	sadd.s32 $0x1000, s6  }
0xa: {  	_ =	strace $0x80000047;
	s5 =	ssub.s32 $0x2, s4;
	s8 =	sor.u32 s4, s8  }
0xb: {  	s10 =	sshrl.u32 s5, $0x1;
	s4 =	sshll.u32 s8, $0x5;
	s31 =	sshll.u32 s8, $0x6  }
0xc: {  	s8 =	sshll.u32 s8, $0xC;
	s10 =	ssub.s32 s5, s10;
	s5 =	sadd.s32 s31, s9  }
0xd: {  	s4 =	sadd.s32 s9, s4;
	s7 =	sadd.s32 s7, s8;
	s5 =	sadd.s32 $0x400, s5  }
0xe: {  	s8 =	sadd.s32 $0x800, s7;
	s9 =	smax.u32 s10, $0x1;
	s10 =	simm.s32 $0x4  }
.LBB2_1:
0xf: {  	[tilespmem:s3], [sflag:$0x4] =	stream.linear.gather [hbm4b:s4+s3], $0x100, $0x38;
	[tilespmem:$0x8400] =	vst v63  }
0x10: {  	_ =	swait.ge [sflag:s10], $0x100  }
0x11: {  	[sflag:s10] =	ssyncset.done $0x0  }
0x12: {  	[sflag:s10] =	ssyncadd.s32 $0xFFFFFF00  }
0x13: {  	[tilespmem:s16], [sflag:$0x1] =	stream.indirect.gather [hbm4b:s1+s11], $0x80, s3, s11, $0xb8;
	[tilespmem:$0x8400] =	vst v63  }
0x14: {  	_ = 	snop  }
0x15: {  	[tilespmem:s12], [sflag:$0x2] =	stream.indirect.gather [hbm4b:s1+s11], $0x80, s11, s11, $0xb8;
	[tilespmem:$0x8400] =	vst v63  }
0x16: {  	_ = 	snop  }
0x17: {  	[tilespmem:s13], [sflag:$0x4] =	stream.linear.gather [hbm4b:s5+s3], $0x200, $0x38;
	[tilespmem:$0x8400] =	vst v63  }
0x18: {  	_ =	swait.ge [sflag:s10], $0x200  }
0x19: {  	[sflag:s10] =	ssyncset.done $0x0  }
0x1a: {  	[sflag:s10] =	ssyncadd.s32 $0xFFFFFE00  }
0x1b: {  	[tilespmem:s14], [sflag:$0x4] =	stream.linear.gather [hbm4b:s6+s3], $0x100, $0x38;
	[tilespmem:$0x8400] =	vst v63  }
0x1c: {  	_ =	swait.ge [sflag:s10], $0x100  }
0x1d: {  	[sflag:s10] =	ssyncset.done $0x0  }
0x1e: {  	[sflag:s10] =	ssyncadd.s32 $0xFFFFFF00  }
0x1f: {  	_ =	swait.ge [sflag:s15], $0x4000  }
0x20: {  	[sflag:s15] =	ssyncset.done $0x0  }
0x21: {  	[sflag:s15] =	ssyncadd.s32 $0xFFFFC000  }
0x22: {  	v0 =	vld [tilespmem:$0x8300]  }
0x23: {  	v1 =	vld [tilespmem:$0x8310]  }
0x24: {  	v2 =	vld [tilespmem:$0x8320]  }
0x25: {  	v3 =	vld [tilespmem:$0x8330]  }
0x26: {  	v4 =	vld [tilespmem:$0x8340]  }
0x27: {  	v5 =	vld [tilespmem:$0x8350]  }
0x28: {  	v6 =	vld [tilespmem:$0x8360]  }
0x29: {  	v7 =	vld [tilespmem:$0x8370]  }
0x2a: {  	v8 =	vld [tilespmem:$0x8380]  }
0x2b: {  	v9 =	vld [tilespmem:$0x8390]  }
0x2c: {  	v10 =	vld [tilespmem:$0x83A0]  }
0x2d: {  	v11 =	vld [tilespmem:$0x83B0]  }
0x2e: {  	v12 =	vld [tilespmem:$0x83C0]  }
0x2f: {  	v13 =	vld [tilespmem:$0x83F0]  }
0x30: {  	v22 =	vld [tilespmem:$0x8100]  }
0x31: {  	v18 =	vld [tilespmem:$0x8110]  }
0x32: {  	v28 =	vld [tilespmem:$0x8120]  }
0x33: {  	v25 =	vld [tilespmem:$0x8130]  }
0x34: {  	v32 =	vld [tilespmem:$0x8140]  }
0x35: {  	v19 =	vld [tilespmem:$0x81D0]  }
0x36: {  	v14 =	vld [tilespmem:$0x81F0]  }
0x37: {  	v26 =	vld [tilespmem:$0x8160]  }
0x38: {  	v27 =	vld [tilespmem:$0x8180]  }
0x39: {  	v15 =	vld [tilespmem:$0x8190]  }
0x3a: {  	v16 =	vld [tilespmem:$0x81B0];
	v20 =	vmul.f32 v32, v12  }
0x3b: {  	v30 =	vld [tilespmem:$0x81A0];
	v29 =	vmul.f32 v19, v5;
	v23 =	vmul.f32 v14, v13  }
0x3c: {  	v24 =	vld [tilespmem:$0x81E0];
	v17 =	vmul.f32 v22, v8;
	v21 =	vmul.f32 v14, v7  }
0x3d: {  	v33 =	vld [tilespmem:$0x8170];
	v31 =	vmul.f32 v18, v1;
	v34 =	vmul.f32 v18, v9  }
0x3e: {  	v36 =	vld [tilespmem:$0x8150];
	v35 =	vmul.f32 v28, v10;
	v37 =	vmul.f32 v27, v0  }
0x3f: {  	v39 =	vld [tilespmem:$0x81C0];
	v38 =	vmul.f32 v26, v6;
	v40 =	vmul.f32 v16, v11  }
0x40: {  	v41 =	vmul.f32 v16, v3;
	v42 =	vmul.f32 v15, v9  }
0x41: {  	v16 =	vmul.f32 v15, v1;
	v43 =	vmul.f32 v24, v6  }
0x42: {  	v44 =	vmul.f32 v30, v2;
	v45 =	vmul.f32 v33, v13  }
0x43: {  	v46 =	vmul.f32 v25, v11;
	v47 =	vmul.f32 v36, v5  }
0x44: {  	v61 =	vmul.f32 v33, v7;
	v48 =	vmul.f32 v39, v4  }
0x45: {  	v39 =	vmul.f32 v39, v12;
	v56 =	vmul.f32 v27, v8  }
0x46: {  	v14 =	vld [tilespmem:$0x83E0];
	v57 =	vmul.f32 v30, v10;
	v59 =	vmul.f32 v32, v4  }
0x47: {  	v15 =	vld [tilespmem:$0x83D0];
	v60 =	vmul.f32 v28, v2;
	v37 =	vsub.f32 v37, v17;
	v35 =	vsub.f32 v44, v35  }
0x48: {  	[tilespmem:s16+$0x0] =	vst.add.f32.msk $0xffff, v22;
	v22 =	vmul.f32 v22, v0;
	v34 =	vsub.f32 v16, v34;
	v62 =	vsub.f32 v41, v46  }
0x49: {  	v50 =	vsub.f32 v48, v20;
	v17 =	vmul.f32 v37, v0;
	v16 =	vmul.f32 v35, v2  }
0x4a: {  	v45 =	vsub.f32 v21, v45;
	v21 =	vmul.f32 v35, v10;
	v20 =	vmul.f32 v34, v1  }
0x4b: {  	[tilespmem:s16+$0x10] =	vst.add.f32.msk $0xffff, v18;
	v44 =	vadd.f32 v23, v61;
	v23 =	vmul.f32 v62, v3;
	v18 =	vmul.f32 v50, v4  }
0x4c: {  	v27 =	vadd.f32 v42, v31;
	v53 =	vmul.f32 v45, v13;
	v54 =	vmul.f32 v45, v7  }
0x4d: {  	[tilespmem:s16+$0x50] =	vst.add.f32.msk $0xffff, v36;
	v58 =	vmul.f32 v44, v13;
	v61 =	vmul.f32 v50, v12  }
0x4e: {  	[tilespmem:s16+$0x60] =	vst.add.f32.msk $0xffff, v26;
	v42 =	vmul.f32 v27, v1;
	v49 =	vmul.f32 v26, v14  }
0x4f: {  	[tilespmem:s16+$0x20] =	vst.add.f32.msk $0xffff, v28;
	v63 =	vmul.f32 v24, v14;
	v24 =	vmul.f32 v37, v8  }
0x50: {  	[tilespmem:s16+$0x30] =	vst.add.f32.msk $0xffff, v25;
	v36 =	vmul.f32 v36, v15;
	v51 =	vmul.f32 v19, v15  }
0x51: {  	[tilespmem:s16+$0x70] =	vst.add.f32.msk $0xffff, v33;
	v28 =	vadd.f32 v39, v59;
	v19 =	vmul.f32 v62, v11;
	v26 =	vmul.f32 v25, v3  }
0x52: {  	[tilespmem:s16+$0x40] =	vst.add.f32.msk $0xffff, v32;
	v25 =	vmul.f32 v44, v7;
	v37 =	vadd.f32 v56, v22;
	v43 =	vsub.f32 v43, v49  }
0x53: {  	[tilespmem:s16+$0xF0] =	vst.add.f32.msk $0xffff, v44;
	v22 =	vmul.f32 v28, v4;
	v52 =	vadd.f32 v63, v38;
	v36 =	vsub.f32 v29, v36  }
0x54: {  	[tilespmem:s16+$0xC0] =	vst.add.f32.msk $0xffff, v28;
	v29 =	vmul.f32 v34, v9;
	v26 =	vadd.f32 v40, v26;
	v40 =	vmul.f32 v37, v0  }
0x55: {  	[tilespmem:s16+$0x90] =	vst.add.f32.msk $0xffff, v27;
	v55 =	vadd.f32 v51, v47;
	v31 =	vmul.f32 v43, v14;
	v30 =	vmul.f32 v43, v6  }
0x56: {  	v25 =	vadd.f32 v53, v25;
	[tilespmem:s16+$0x80] =	vst.add.f32.msk $0xffff, v37;
	v33 =	vmul.f32 v52, v14;
	v35 =	vmul.f32 v52, v6  }
0x57: {  	v34 =	vadd.f32 v57, v60;
	[tilespmem:s16+$0xE0] =	vst.add.f32.msk $0xffff, v52;
	v62 =	vmul.f32 v55, v5;
	v63 =	vmul.f32 v36, v15  }
0x58: {  	v22 =	vadd.f32 v61, v22;
	[tilespmem:s16+$0xD0] =	vst.add.f32.msk $0xffff, v55;
	v38 =	vmul.f32 v36, v5;
	v41 =	vmul.f32 v55, v15  }
0x59: {  	s20 =	simm.s32 $0x0;
	s21 =	simm.s32 $0x100;
	[tilespmem:s16+$0xA0] =	vst.add.f32.msk $0xffff, v34;
	v36 =	vsub.f32 v54, v58;
	v39 =	vmul.f32 v34, v2;
	v32 =	vadd.f32 v63, v62  }
.LBB2_2:
0x5a: {  	s20 =	sadd.s32 $0x2, s20;
	v40 =	vadd.f32 v24, v40;
	v24 =	vmul.f32 v37, v8;
	[tilespmem:s21+$0xB0] =	vst.add.f32.msk $0xffff, v26;
	v37 =	vsub.f32 v38, v41;
	s21 =	sadd.s32 $0x100, s21  }
0x5b: {  	v38 =	vmul.f32 v22, v12;
	v41 =	vmul.f32 v26, v11;
	[tilespmem:s21+$0x50] =	vst.add.f32.msk $0xffff, v32;
	p0 =	slt.u32 s20, $0x7E;
	v29 =	vadd.f32 v29, v42  }
0x5c: {  	v43 =	vmul.f32 v36, v13;
	[tilespmem:s21+$0x0] =	vst.add.f32.msk $0xffff, v40;
	v42 =	vmul.f32 v37, v5;
	v44 =	vsub.f32 v17, v24  }
0x5d: {  	v17 =	vmul.f32 v40, v8;
	v24 =	vmul.f32 v36, v7;
	v36 =	vadd.f32 v21, v39;
	[tilespmem:s21+$0x10] =	vst.add.f32.msk $0xffff, v29  }
0x5e: {  	v39 =	vmul.f32 v29, v1;
	v21 =	vmul.f32 v29, v9;
	v29 =	vadd.f32 v31, v35;
	v35 =	vmovc v25  }
0x5f: {  	v27 =	vmul.f32 v27, v9;
	v23 =	vsub.f32 v23, v41;
	v31 =	vmul.f32 v36, v10;
	[tilespmem:s21+$0x20] =	vst.add.f32.msk $0xffff, v36  }
0x60: {  	v34 =	vmul.f32 v34, v10;
	v30 =	vsub.f32 v30, v33;
	v41 =	vmul.f32 v44, v0;
	[tilespmem:s21+$0x60] =	vst.add.f32.msk $0xffff, v29  }
0x61: {  	v26 =	vmul.f32 v26, v3;
	v20 =	vsub.f32 v20, v27;
	v33 =	vmul.f32 v29, v6  }
0x62: {  	v34 =	vsub.f32 v16, v34;
	v45 =	vmul.f32 v23, v11;
	v23 =	vmul.f32 v23, v3  }
0x63: {  	v26 =	vadd.f32 v19, v26;
	v27 =	vmul.f32 v20, v9;
	v16 =	vmul.f32 v20, v1  }
0x64: {  	v19 =	vmul.f32 v30, v6;
	v20 =	vmul.f32 v28, v12  }
0x65: {  	v28 =	vsub.f32 v41, v17;
	v17 =	vmul.f32 v34, v2;
	v41 =	vmul.f32 v25, v13;
	[tilespmem:s21+$0x30] =	vst.add.f32.msk $0xffff, v26  }
0x66: {  	v47 =	vmul.f32 v32, v5;
	v46 =	vmul.f32 v26, v11;
	v18 =	vsub.f32 v18, v20  }
0x67: {  	v48 =	vsub.f32 v16, v21;
	v16 =	vmul.f32 v25, v7;
	v20 =	vsub.f32 v17, v31  }
0x68: {  	v25 =	vmul.f32 v18, v4;
	v31 =	vsub.f32 v24, v41;
	v17 =	vmul.f32 v28, v0  }
0x69: {  	v41 =	vmul.f32 v18, v12;
	v43 =	vadd.f32 v43, v16;
	v16 =	vmul.f32 v20, v2  }
0x6a: {  	v18 =	vsub.f32 v23, v46;
	v23 =	vmul.f32 v29, v14;
	v21 =	vmul.f32 v20, v10  }
0x6b: {  	v24 =	vmul.f32 v28, v8;
	v38 =	vsub.f32 v25, v38;
	v25 =	vmul.f32 v30, v14;
	[tilespmem:s21+$0xF0] =	vst.add.f32.msk $0xffff, v43  }
0x6c: {  	v28 =	vmul.f32 v32, v15;
	v30 =	vsub.f32 v19, v23;
	v20 =	vmul.f32 v48, v1  }
0x6d: {  	v29 =	vmul.f32 v37, v15;
	v19 =	vmul.f32 v18, v11;
	v32 =	vadd.f32 v25, v33  }
0x6e: {  	v23 =	vmul.f32 v18, v3;
	v18 =	vmul.f32 v38, v4  }
0x6f: {  	v42 =	vsub.f32 v42, v28;
	v28 =	vmul.f32 v31, v13;
	v25 =	vmul.f32 v26, v3  }
0x70: {  	v46 =	vadd.f32 v29, v47;
	v29 =	vmul.f32 v48, v9;
	v47 =	vmul.f32 v31, v7;
	[tilespmem:s21+$0xE0] =	vst.add.f32.msk $0xffff, v32  }
0x71: {  	v27 =	vadd.f32 v27, v39;
	v37 =	vmul.f32 v44, v8;
	v33 =	vmul.f32 v43, v7  }
0x72: {  	v34 =	vmul.f32 v34, v10;
	v39 =	vmul.f32 v43, v13;
	v26 =	vadd.f32 v45, v25;
	[tilespmem:s21+$0xD0] =	vst.add.f32.msk $0xffff, v46  }
0x73: {  	v31 =	vmul.f32 v30, v14;
	v25 =	vadd.f32 v28, v33;
	v43 =	vmul.f32 v22, v4  }
0x74: {  	v36 =	vmul.f32 v36, v2;
	v30 =	vmul.f32 v30, v6  }
0x75: {  	v40 =	vmul.f32 v40, v0;
	v33 =	vmul.f32 v32, v14;
	v28 =	vadd.f32 v41, v43;
	[tilespmem:s21+$0x70] =	vst.add.f32.msk $0xffff, v35  }
.Ltmp0:
0x76: {  	v34 =	vadd.f32 v34, v36;
	v35 =	vmul.f32 v32, v6;
	[tilespmem:s21+$0x40] =	vst.add.f32.msk $0xffff, v22;
	v22 =	vmul.f32 v38, v12;
	(pc) =	sbr.rel @p0 .LBB2_2-.Ltmp0, $4  }
0x77: {  	v37 =	vadd.f32 v37, v40;
	v32 =	vmul.f32 v28, v4;
	v38 =	vmul.f32 v42, v5;
	[tilespmem:s21+$0xC0] =	vst.add.f32.msk $0xffff, v28  }
0x78: {  	v44 =	vmul.f32 v42, v15;
	v36 =	vsub.f32 v47, v39;
	v43 =	vmul.f32 v46, v5;
	[tilespmem:s21+$0xA0] =	vst.add.f32.msk $0xffff, v34  }
0x79: {  	v40 =	vmul.f32 v37, v0;
	v41 =	vmul.f32 v46, v15;
	v22 =	vadd.f32 v22, v32;
	[tilespmem:s21+$0x80] =	vst.add.f32.msk $0xffff, v37  }
0x7a: {  	v39 =	vmul.f32 v34, v2;
	v42 =	vmul.f32 v27, v1;
	v32 =	vadd.f32 v44, v43;
	[tilespmem:s21+$0x90] =	vst.add.f32.msk $0xffff, v27  }
0x7b: {  	[tilespmem:s21+$0xB0] =	vst.add.f32.msk $0xffff, v26  }
0x7c: {  	[hbm4b:s7+s3] =	stream.linear.scatter [tilespmem:s16], [sflag:$0x3], $0x4000, $0x38;
	[tilespmem:$0x8400] =	vst v63  }
0x7d: {  	_ =	swait.ge [sflag:s17], $0x4000  }
0x7e: {  	[sflag:s17] =	ssyncset.done $0x0  }
0x7f: {  	[sflag:s17] =	ssyncadd.s32 $0xFFFFC000  }
0x80: {  	v0 =	vld [tilespmem:$0x8300]  }
0x81: {  	v1 =	vld [tilespmem:$0x8310]  }
0x82: {  	v2 =	vld [tilespmem:$0x8320]  }
0x83: {  	v3 =	vld [tilespmem:$0x8330]  }
0x84: {  	v4 =	vld [tilespmem:$0x8340]  }
0x85: {  	v5 =	vld [tilespmem:$0x8350]  }
0x86: {  	v6 =	vld [tilespmem:$0x8360]  }
0x87: {  	v7 =	vld [tilespmem:$0x8370]  }
0x88: {  	v8 =	vld [tilespmem:$0x8380]  }
0x89: {  	v9 =	vld [tilespmem:$0x8390]  }
0x8a: {  	v10 =	vld [tilespmem:$0x83A0]  }
0x8b: {  	v11 =	vld [tilespmem:$0x83B0]  }
0x8c: {  	v12 =	vld [tilespmem:$0x83C0]  }
0x8d: {  	v13 =	vld [tilespmem:$0x83F0]  }
0x8e: {  	v22 =	vld [tilespmem:$0x8200]  }
0x8f: {  	v18 =	vld [tilespmem:$0x8210]  }
0x90: {  	v28 =	vld [tilespmem:$0x8220]  }
0x91: {  	v25 =	vld [tilespmem:$0x8230]  }
0x92: {  	v32 =	vld [tilespmem:$0x8240]  }
0x93: {  	v19 =	vld [tilespmem:$0x82D0]  }
0x94: {  	v14 =	vld [tilespmem:$0x82F0]  }
0x95: {  	v26 =	vld [tilespmem:$0x8260]  }
0x96: {  	v27 =	vld [tilespmem:$0x8280]  }
0x97: {  	v15 =	vld [tilespmem:$0x8290]  }
0x98: {  	v16 =	vld [tilespmem:$0x82B0];
	v20 =	vmul.f32 v32, v12  }
0x99: {  	v30 =	vld [tilespmem:$0x82A0];
	v29 =	vmul.f32 v19, v5;
	v23 =	vmul.f32 v14, v13  }
0x9a: {  	v24 =	vld [tilespmem:$0x82E0];
	v17 =	vmul.f32 v22, v8;
	v21 =	vmul.f32 v14, v7  }
0x9b: {  	v33 =	vld [tilespmem:$0x8270];
	v31 =	vmul.f32 v18, v1;
	v34 =	vmul.f32 v18, v9  }
0x9c: {  	v36 =	vld [tilespmem:$0x8250];
	v35 =	vmul.f32 v28, v10;
	v37 =	vmul.f32 v27, v0  }
0x9d: {  	v39 =	vld [tilespmem:$0x82C0];
	v38 =	vmul.f32 v26, v6;
	v40 =	vmul.f32 v16, v11  }
0x9e: {  	v41 =	vmul.f32 v16, v3;
	v42 =	vmul.f32 v15, v9  }
0x9f: {  	v16 =	vmul.f32 v15, v1;
	v43 =	vmul.f32 v24, v6  }
0xa0: {  	v44 =	vmul.f32 v30, v2;
	v45 =	vmul.f32 v33, v13  }
0xa1: {  	v46 =	vmul.f32 v25, v11;
	v47 =	vmul.f32 v36, v5  }
0xa2: {  	v62 =	vmul.f32 v33, v7;
	v48 =	vmul.f32 v39, v4  }
0xa3: {  	v39 =	vmul.f32 v39, v12;
	v54 =	vmul.f32 v25, v3  }
0xa4: {  	v14 =	vld [tilespmem:$0x83E0];
	v56 =	vmul.f32 v27, v8;
	v57 =	vmul.f32 v30, v10  }
0xa5: {  	s20 =	simm.s32 $0x4100;
	v15 =	vld [tilespmem:$0x83D0];
	v59 =	vmul.f32 v32, v4;
	v60 =	vmul.f32 v28, v2;
	v37 =	vsub.f32 v37, v17  }
0xa6: {  	[tilespmem:s20+$0x0] =	vst.add.f32.msk $0xffff, v22;
	v22 =	vmul.f32 v22, v0;
	v35 =	vsub.f32 v44, v35;
	v34 =	vsub.f32 v16, v34  }
0xa7: {  	v45 =	vsub.f32 v21, v45;
	v63 =	vsub.f32 v41, v46;
	v17 =	vmul.f32 v37, v0  }
0xa8: {  	v51 =	vsub.f32 v48, v20;
	v16 =	vmul.f32 v35, v2;
	v21 =	vmul.f32 v35, v10  }
0xa9: {  	v44 =	vadd.f32 v23, v62;
	v20 =	vmul.f32 v34, v1;
	v23 =	vmul.f32 v63, v3  }
0xaa: {  	[tilespmem:s20+$0x10] =	vst.add.f32.msk $0xffff, v18;
	v18 =	vmul.f32 v51, v4;
	v55 =	vmul.f32 v45, v13  }
0xab: {  	[tilespmem:s20+$0x30] =	vst.add.f32.msk $0xffff, v25;
	v27 =	vadd.f32 v42, v31;
	v45 =	vmul.f32 v45, v7;
	v25 =	vmul.f32 v44, v7  }
0xac: {  	[tilespmem:s20+$0x50] =	vst.add.f32.msk $0xffff, v36;
	v58 =	vmul.f32 v44, v13;
	v61 =	vmul.f32 v51, v12  }
0xad: {  	[tilespmem:s20+$0x20] =	vst.add.f32.msk $0xffff, v28;
	v42 =	vmul.f32 v27, v1;
	v49 =	vmul.f32 v26, v14  }
0xae: {  	[tilespmem:s20+$0x60] =	vst.add.f32.msk $0xffff, v26;
	v50 =	vmul.f32 v24, v14;
	v24 =	vmul.f32 v37, v8  }
0xaf: {  	[tilespmem:s20+$0x70] =	vst.add.f32.msk $0xffff, v33;
	v28 =	vadd.f32 v39, v59;
	v36 =	vmul.f32 v36, v15;
	v52 =	vmul.f32 v19, v15  }
0xb0: {  	[tilespmem:s20+$0x40] =	vst.add.f32.msk $0xffff, v32;
	v19 =	vmul.f32 v63, v11;
	v26 =	vadd.f32 v40, v54;
	v37 =	vadd.f32 v56, v22  }
0xb1: {  	[tilespmem:s20+$0xF0] =	vst.add.f32.msk $0xffff, v44;
	v22 =	vmul.f32 v28, v4;
	v43 =	vsub.f32 v43, v49;
	v53 =	vadd.f32 v50, v38  }
0xb2: {  	[tilespmem:s20+$0xC0] =	vst.add.f32.msk $0xffff, v28;
	v36 =	vsub.f32 v29, v36;
	v29 =	vmul.f32 v34, v9;
	v40 =	vmul.f32 v37, v0  }
0xb3: {  	[tilespmem:s20+$0x90] =	vst.add.f32.msk $0xffff, v27;
	v46 =	vadd.f32 v52, v47;
	v31 =	vmul.f32 v43, v14;
	v30 =	vmul.f32 v43, v6  }
0xb4: {  	v25 =	vadd.f32 v55, v25;
	[tilespmem:s20+$0x80] =	vst.add.f32.msk $0xffff, v37;
	v33 =	vmul.f32 v53, v14;
	v35 =	vmul.f32 v53, v6  }
0xb5: {  	v34 =	vadd.f32 v57, v60;
	[tilespmem:s20+$0xE0] =	vst.add.f32.msk $0xffff, v53;
	v62 =	vmul.f32 v46, v5;
	v63 =	vmul.f32 v36, v15  }
0xb6: {  	v22 =	vadd.f32 v61, v22;
	[tilespmem:s20+$0xD0] =	vst.add.f32.msk $0xffff, v46;
	v38 =	vmul.f32 v36, v5;
	v41 =	vmul.f32 v46, v15  }
0xb7: {  	s21 =	simm.s32 $0x0;
	[tilespmem:s20+$0xA0] =	vst.add.f32.msk $0xffff, v34;
	v36 =	vsub.f32 v45, v58;
	v39 =	vmul.f32 v34, v2;
	v32 =	vadd.f32 v63, v62  }
.LBB2_4:
0xb8: {  	s21 =	sadd.s32 $0x2, s21;
	v40 =	vadd.f32 v24, v40;
	v24 =	vmul.f32 v37, v8;
	[tilespmem:s20+$0xB0] =	vst.add.f32.msk $0xffff, v26;
	v37 =	vsub.f32 v38, v41;
	s20 =	sadd.s32 $0x100, s20  }
0xb9: {  	v38 =	vmul.f32 v22, v12;
	v41 =	vmul.f32 v26, v11;
	[tilespmem:s20+$0x50] =	vst.add.f32.msk $0xffff, v32;
	p0 =	slt.u32 s21, $0x7E;
	v29 =	vadd.f32 v29, v42  }
0xba: {  	v43 =	vmul.f32 v36, v13;
	[tilespmem:s20+$0x0] =	vst.add.f32.msk $0xffff, v40;
	v42 =	vmul.f32 v37, v5;
	v44 =	vsub.f32 v17, v24  }
0xbb: {  	v17 =	vmul.f32 v40, v8;
	v24 =	vmul.f32 v36, v7;
	v36 =	vadd.f32 v21, v39;
	[tilespmem:s20+$0x10] =	vst.add.f32.msk $0xffff, v29  }
0xbc: {  	v39 =	vmul.f32 v29, v1;
	v21 =	vmul.f32 v29, v9;
	v29 =	vadd.f32 v31, v35;
	v35 =	vmovc v25  }
0xbd: {  	v27 =	vmul.f32 v27, v9;
	v23 =	vsub.f32 v23, v41;
	v31 =	vmul.f32 v36, v10;
	[tilespmem:s20+$0x20] =	vst.add.f32.msk $0xffff, v36  }
0xbe: {  	v34 =	vmul.f32 v34, v10;
	v30 =	vsub.f32 v30, v33;
	v41 =	vmul.f32 v44, v0;
	[tilespmem:s20+$0x60] =	vst.add.f32.msk $0xffff, v29  }
0xbf: {  	v26 =	vmul.f32 v26, v3;
	v20 =	vsub.f32 v20, v27;
	v33 =	vmul.f32 v29, v6  }
0xc0: {  	v34 =	vsub.f32 v16, v34;
	v45 =	vmul.f32 v23, v11;
	v23 =	vmul.f32 v23, v3  }
0xc1: {  	v26 =	vadd.f32 v19, v26;
	v27 =	vmul.f32 v20, v9;
	v16 =	vmul.f32 v20, v1  }
0xc2: {  	v19 =	vmul.f32 v30, v6;
	v20 =	vmul.f32 v28, v12  }
0xc3: {  	v28 =	vsub.f32 v41, v17;
	v17 =	vmul.f32 v34, v2;
	v41 =	vmul.f32 v25, v13;
	[tilespmem:s20+$0x30] =	vst.add.f32.msk $0xffff, v26  }
0xc4: {  	v47 =	vmul.f32 v32, v5;
	v46 =	vmul.f32 v26, v11;
	v18 =	vsub.f32 v18, v20  }
0xc5: {  	v48 =	vsub.f32 v16, v21;
	v16 =	vmul.f32 v25, v7;
	v20 =	vsub.f32 v17, v31  }
0xc6: {  	v25 =	vmul.f32 v18, v4;
	v31 =	vsub.f32 v24, v41;
	v17 =	vmul.f32 v28, v0  }
0xc7: {  	v41 =	vmul.f32 v18, v12;
	v43 =	vadd.f32 v43, v16;
	v16 =	vmul.f32 v20, v2  }
0xc8: {  	v18 =	vsub.f32 v23, v46;
	v23 =	vmul.f32 v29, v14;
	v21 =	vmul.f32 v20, v10  }
0xc9: {  	v24 =	vmul.f32 v28, v8;
	v38 =	vsub.f32 v25, v38;
	v25 =	vmul.f32 v30, v14;
	[tilespmem:s20+$0xF0] =	vst.add.f32.msk $0xffff, v43  }
0xca: {  	v28 =	vmul.f32 v32, v15;
	v30 =	vsub.f32 v19, v23;
	v20 =	vmul.f32 v48, v1  }
0xcb: {  	v29 =	vmul.f32 v37, v15;
	v19 =	vmul.f32 v18, v11;
	v32 =	vadd.f32 v25, v33  }
0xcc: {  	v23 =	vmul.f32 v18, v3;
	v18 =	vmul.f32 v38, v4  }
0xcd: {  	v42 =	vsub.f32 v42, v28;
	v28 =	vmul.f32 v31, v13;
	v25 =	vmul.f32 v26, v3  }
0xce: {  	v46 =	vadd.f32 v29, v47;
	v29 =	vmul.f32 v48, v9;
	v47 =	vmul.f32 v31, v7;
	[tilespmem:s20+$0xE0] =	vst.add.f32.msk $0xffff, v32  }
0xcf: {  	v27 =	vadd.f32 v27, v39;
	v37 =	vmul.f32 v44, v8;
	v33 =	vmul.f32 v43, v7  }
0xd0: {  	v34 =	vmul.f32 v34, v10;
	v39 =	vmul.f32 v43, v13;
	v26 =	vadd.f32 v45, v25;
	[tilespmem:s20+$0xD0] =	vst.add.f32.msk $0xffff, v46  }
0xd1: {  	v31 =	vmul.f32 v30, v14;
	v25 =	vadd.f32 v28, v33;
	v43 =	vmul.f32 v22, v4  }
0xd2: {  	v36 =	vmul.f32 v36, v2;
	v30 =	vmul.f32 v30, v6  }
0xd3: {  	v40 =	vmul.f32 v40, v0;
	v33 =	vmul.f32 v32, v14;
	v28 =	vadd.f32 v41, v43;
	[tilespmem:s20+$0x70] =	vst.add.f32.msk $0xffff, v35  }
.Ltmp1:
0xd4: {  	v34 =	vadd.f32 v34, v36;
	v35 =	vmul.f32 v32, v6;
	[tilespmem:s20+$0x40] =	vst.add.f32.msk $0xffff, v22;
	v22 =	vmul.f32 v38, v12;
	(pc) =	sbr.rel @p0 .LBB2_4-.Ltmp1, $4  }
0xd5: {  	v37 =	vadd.f32 v37, v40;
	v32 =	vmul.f32 v28, v4;
	v38 =	vmul.f32 v42, v5;
	[tilespmem:s20+$0xC0] =	vst.add.f32.msk $0xffff, v28  }
0xd6: {  	v44 =	vmul.f32 v42, v15;
	v36 =	vsub.f32 v47, v39;
	v43 =	vmul.f32 v46, v5;
	[tilespmem:s20+$0xA0] =	vst.add.f32.msk $0xffff, v34  }
0xd7: {  	v40 =	vmul.f32 v37, v0;
	v41 =	vmul.f32 v46, v15;
	v22 =	vadd.f32 v22, v32;
	[tilespmem:s20+$0x80] =	vst.add.f32.msk $0xffff, v37  }
0xd8: {  	v39 =	vmul.f32 v34, v2;
	v42 =	vmul.f32 v27, v1;
	v32 =	vadd.f32 v44, v43;
	[tilespmem:s20+$0x90] =	vst.add.f32.msk $0xffff, v27  }
0xd9: {  	[tilespmem:s20+$0xB0] =	vst.add.f32.msk $0xffff, v26;
	s19 =	sadd.s32 $0x1, s19  }
0xda: {  	[hbm4b:s8+s3] =	stream.linear.scatter [tilespmem:s12], [sflag:$0x3], $0x4000, $0x38;
	[tilespmem:$0x8400] =	vst v63  }
0xdb: {  	p0 =	sne.s32 s19, s9;
	_ =	swait.ge [sflag:s18], $0x4000  }
.Ltmp2:
0xdc: {  	[sflag:s18] =	ssyncset.done $0x0;
	(pc) =	sbr.rel @p0 .LBB2_1-.Ltmp2, $4  }
0xdd: {  	[sflag:s18] =	ssyncadd.s32 $0xFFFFC000  }
0xde: {  	_ =	swait.ge [sflag:s18], $0x4000  }
0xdf: {  	[sflag:s18] =	ssyncset.done $0x0  }
0xe0: {  	[sflag:s18] =	ssyncadd.s32 $0xFFFFC000  }
0xe1: {  	_ =	sfence.sel $0x180000  }
0xe2: {  	[bflag:$0x0] =	sbarrier.arrive $0xFFFF  }
0xe3: {  	p0 =	sne.s32 s2, $0x0;
	_ =	strace $0x90000047  }
0xe4: {  	s0 =	sadd.s32 @!p0 $0x100000, s0;
	[bflag:$0x2] =	sbarrier.arrive $0xFFFF  }
0xe5: {  	[sflag:s0] =	ssyncadd.tile.s32 @!p0 $0x1;
	_ =	shalt  }
.Lfunc_end2:
_tile_overlayer_lowered:
.L_overlay_start_2:
0xe6: {  	(tag) =	ssettag $0x2  }
0xe7: {  	s0 =	rddreg [dreg:$0x0];
	s2 =	stileid.u32  }
0xe8: {  	s1 =	rddreg [dreg:$0x1];
	p0 =	sne.s32 s2, $0x0  }
0xe9: {  	s3 =	rddreg [dreg:$0x2];
	[bflag:$0x3] =	sbarrier.arrive $0xFFFF;
	s2 =	simm.s32 @!p0 $0x1C04  }
0xea: {  	[timem:s3], [sflag:s2] =	dma.local @!p0 [hbm:s0], s1  }
0xeb: {  	s0 =	simm.s32 @!p0 $0x4  }
0xec: {  	_ =	swait.ge @!p0 [sflag:s0], s1  }
0xed: {  	s1 =	ssub.s32 @!p0 $0x0, s1;
	[sflag:s0] =	ssyncset.done @!p0 $0x0  }
0xee: {  	[sflag:s0] =	ssyncadd.s32 @!p0 s1  }
0xef: {  	[bflag:$0x3] =	sbarrier.arrive $0xFFFF  }
0xf0: {  	_ =	shalt  }

</sc_bundles>
